<compile_context>
chip_gen: v7x
topology: tpu7x:2x2x1
jax: 0.10.2.dev20260603
libtpu: 0.0.44.dev20260713+nightly
codegen_flags: <defaults>
</compile_context>

<pallas_src>
import functools

import jax
import jax.numpy as jnp
from jax import lax
from jax.experimental import pallas as pl
from jax.experimental.pallas import tpu as pltpu
from jax.experimental.pallas import tpu_sc as plsc

N = 10000
E = 320000
IN_FEAT = 128
HIDDEN = 64
OUT_FEAT = 64
GRID = 4

NC = 2
NS = 16
NTILES = NC * NS
BATCH = 512
NBAT = E // BATCH
NB = 20
NB_LO = NBAT // NTILES
NB_REM = NBAT - NB_LO * NTILES
ACC_ROWS = N + BATCH
RPT = N // NS

ROW_BLK = 2000
NBLK = N // ROW_BLK
EBLK = E // NBLK


def _lin_in_body(x_ref, e_ref, w_ref, b_ref, h_ref, r_ref, c_ref):
    acc = lax.dot_general(
        x_ref[...], w_ref[...], (((1,), (1,)), ((), ())),
        preferred_element_type=jnp.float32)
    h_ref[...] = acc + b_ref[...]

    @pl.when(pl.program_id(0) == 0)
    def _():
        r_ref[...] = e_ref[0]
        c_ref[...] = e_ref[1]


def _lin_in(x, edge_index, W_in, b_in):
    return pl.pallas_call(
        _lin_in_body,
        grid=(NBLK,),
        in_specs=[
            pl.BlockSpec((ROW_BLK, IN_FEAT), lambda i: (i, 0)),
            pl.BlockSpec((2, E), lambda i: (0, 0)),
            pl.BlockSpec((HIDDEN, IN_FEAT), lambda i: (0, 0)),
            pl.BlockSpec((1, HIDDEN), lambda i: (0, 0)),
        ],
        out_specs=[
            pl.BlockSpec((ROW_BLK, HIDDEN), lambda i: (i, 0)),
            pl.BlockSpec((E,), lambda i: (0,)),
            pl.BlockSpec((E,), lambda i: (0,)),
        ],
        out_shape=[
            jax.ShapeDtypeStruct((N, HIDDEN), jnp.float32),
            jax.ShapeDtypeStruct((E,), jnp.int32),
            jax.ShapeDtypeStruct((E,), jnp.int32),
        ],
    )(x, edge_index, W_in, b_in.reshape(1, HIDDEN))


def _sc_spmm_body(rows_hbm, cols_hbm, h_hbm, z_hbm, dumr_hbm, dumc_hbm,
                  out_hbm, colf, rowf, rba, rbb, acc,
                  semga, semgb, semsa, semsb):
    c = lax.axis_index("c")
    s = lax.axis_index("s")
    wid = c * NS + s

    pltpu.sync_copy(z_hbm, acc.at[pl.ds(s * RPT, RPT)])

    start = NB_LO * wid + jnp.minimum(wid, NB_REM)
    e0 = start * BATCH
    nreal = NB_LO * BATCH
    pltpu.sync_copy(rows_hbm.at[pl.ds(e0, nreal)], rowf.at[pl.ds(0, nreal)])
    pltpu.sync_copy(cols_hbm.at[pl.ds(e0, nreal)], colf.at[pl.ds(0, nreal)])

    @pl.when(wid < NB_REM)
    def _():
        pltpu.sync_copy(rows_hbm.at[pl.ds(e0 + nreal, BATCH)],
                        rowf.at[pl.ds(nreal, BATCH)])
        pltpu.sync_copy(cols_hbm.at[pl.ds(e0 + nreal, BATCH)],
                        colf.at[pl.ds(nreal, BATCH)])

    @pl.when(wid >= NB_REM)
    def _():
        pltpu.sync_copy(dumr_hbm, rowf.at[pl.ds(nreal, BATCH)])
        pltpu.sync_copy(dumc_hbm, colf.at[pl.ds(nreal, BATCH)])

    plsc.subcore_barrier()

    pltpu.async_copy(h_hbm.at[colf.at[pl.ds(0, BATCH)]], rba, semga)
    pltpu.async_copy(h_hbm.at[colf.at[pl.ds(BATCH, BATCH)]], rbb, semgb)

    def body(j2, carry):
        j = j2 * 2
        ia = pl.ds(j * BATCH, BATCH)
        ib = pl.ds((j + 1) * BATCH, BATCH)
        ic = pl.ds((j + 2) * BATCH, BATCH)
        idd = pl.ds((j + 3) * BATCH, BATCH)
        pltpu.make_async_copy(h_hbm.at[colf.at[ia]], rba, semga).wait()
        pltpu.async_copy(rba, acc.at[rowf.at[ia]], semsa, add=True)
        pltpu.make_async_copy(h_hbm.at[colf.at[ib]], rbb, semgb).wait()
        pltpu.async_copy(rbb, acc.at[rowf.at[ib]], semsb, add=True)
        pltpu.make_async_copy(rba, acc.at[rowf.at[ia]], semsa).wait()
        pltpu.async_copy(h_hbm.at[colf.at[ic]], rba, semga)
        pltpu.make_async_copy(rbb, acc.at[rowf.at[ib]], semsb).wait()
        pltpu.async_copy(h_hbm.at[colf.at[idd]], rbb, semgb)
        return carry

    lax.fori_loop(0, NB // 2 - 1, body, 0)
    ia = pl.ds((NB - 2) * BATCH, BATCH)
    ib = pl.ds((NB - 1) * BATCH, BATCH)
    pltpu.make_async_copy(h_hbm.at[colf.at[ia]], rba, semga).wait()
    pltpu.async_copy(rba, acc.at[rowf.at[ia]], semsa, add=True)
    pltpu.make_async_copy(h_hbm.at[colf.at[ib]], rbb, semgb).wait()
    pltpu.async_copy(rbb, acc.at[rowf.at[ib]], semsb, add=True)
    pltpu.make_async_copy(rba, acc.at[rowf.at[ia]], semsa).wait()
    pltpu.make_async_copy(rbb, acc.at[rowf.at[ib]], semsb).wait()
    plsc.subcore_barrier()

    pltpu.sync_copy(acc.at[pl.ds(s * RPT, RPT)],
                    out_hbm.at[pl.ds(c * N + s * RPT, RPT), pl.ds(0, HIDDEN)])


_sc_spmm = functools.partial(
    pl.kernel,
    out_type=jax.ShapeDtypeStruct((2 * N, 128), jnp.float32),
    mesh=plsc.VectorSubcoreMesh(
        core_axis_name="c", subcore_axis_name="s",
        num_cores=NC, num_subcores=NS),
    scratch_types=[
        pltpu.VMEM((NB * BATCH,), jnp.int32),
        pltpu.VMEM((NB * BATCH,), jnp.int32),
        pltpu.VMEM((BATCH, HIDDEN), jnp.float32),
        pltpu.VMEM((BATCH, HIDDEN), jnp.float32),
        pltpu.VMEM_SHARED((ACC_ROWS, HIDDEN), jnp.float32),
        pltpu.SemaphoreType.DMA,
        pltpu.SemaphoreType.DMA,
        pltpu.SemaphoreType.DMA,
        pltpu.SemaphoreType.DMA,
    ],
    compiler_params=pltpu.CompilerParams(use_tc_tiling_on_sc=False),
)(_sc_spmm_body)


def _post_body(p0_ref, p1_ref, wc_ref, ws_ref, wo_ref, o_ref):
    a = p0_ref[:, :HIDDEN] + p1_ref[:, :HIDDEN]
    r = a - 6.283185307179586 * jnp.round(a * 0.15915494309189535)
    r2 = r * r
    s1 = r * (1 + r2 * (-1 / 6 + r2 * (1 / 120 + r2 * (-1 / 5040 + r2 * (
        1 / 362880 + r2 * (-1 / 39916800 + r2 * (1 / 6227020800)))))))
    c1 = 1 + r2 * (-1 / 2 + r2 * (1 / 24 + r2 * (-1 / 720 + r2 * (
        1 / 40320 + r2 * (-1 / 3628800 + r2 * (
            1 / 479001600 + r2 * (-1 / 87178291200)))))))
    ck, sk = c1, s1
    y = lax.dot_general(c1, wc_ref[0], (((1,), (0,)), ((), ())),
                        preferred_element_type=jnp.float32)
    y = y + lax.dot_general(s1, ws_ref[0], (((1,), (0,)), ((), ())),
                            preferred_element_type=jnp.float32)
    for g in range(1, GRID):
        ck, sk = ck * c1 - sk * s1, sk * c1 + ck * s1
        y = y + lax.dot_general(ck, wc_ref[g], (((1,), (0,)), ((), ())),
                                preferred_element_type=jnp.float32)
        y = y + lax.dot_general(sk, ws_ref[g], (((1,), (0,)), ((), ())),
                                preferred_element_type=jnp.float32)
    o = lax.dot_general(y, wo_ref[...], (((1,), (1,)), ((), ())),
                        preferred_element_type=jnp.float32)
    m = jnp.max(o, axis=-1, keepdims=True)
    ex = jnp.exp(o - m)
    o_ref[...] = (o - m) - jnp.log(jnp.sum(ex, axis=-1, keepdims=True))


def _post(partials, Wc, Ws, W_out):
    return pl.pallas_call(
        _post_body,
        grid=(NBLK,),
        in_specs=[
            pl.BlockSpec((ROW_BLK, 128), lambda i: (i, 0)),
            pl.BlockSpec((ROW_BLK, 128), lambda i: (NBLK + i, 0)),
            pl.BlockSpec((GRID, HIDDEN, HIDDEN), lambda i: (0, 0, 0)),
            pl.BlockSpec((GRID, HIDDEN, HIDDEN), lambda i: (0, 0, 0)),
            pl.BlockSpec((OUT_FEAT, HIDDEN), lambda i: (0, 0)),
        ],
        out_specs=pl.BlockSpec((ROW_BLK, OUT_FEAT), lambda i: (i, 0)),
        out_shape=jax.ShapeDtypeStruct((N, OUT_FEAT), jnp.float32),
    )(partials, partials, Wc, Ws, W_out)


def kernel(x, edge_index, W_in, b_in, coeffs0, W_out):
    h, rows1d, cols1d = _lin_in(x, edge_index, W_in, b_in)
    zeros = jnp.zeros((RPT, HIDDEN), jnp.float32)
    dummy_rows = N + jnp.arange(BATCH, dtype=jnp.int32)
    dummy_cols = jnp.arange(BATCH, dtype=jnp.int32)
    partials = _sc_spmm(rows1d, cols1d, h, zeros, dummy_rows, dummy_cols)
    Wc = jnp.transpose(coeffs0[0], (2, 1, 0))
    Ws = jnp.transpose(coeffs0[1], (2, 1, 0))
    return _post(partials, Wc, Ws, W_out)

# --- scband reference (transcript-rebuilt; emitter-appended) ---
"""Pipeline reference for scband-kan-gnn-80058190397885 (READ-ONLY COPY).

The authoritative reference and input builder live on the scoring server;
editing this copy changes nothing except your own understanding.
"""

import jax, jax.numpy as jnp
import numpy as np

N = 10000
E = 320000
IN_FEAT = 128
HIDDEN = 64
OUT_FEAT = 64
GRID = 4


def setup_inputs(seed: int = 0) -> dict:
    key = jax.random.key(seed)
    ks = jax.random.split(key, 6)
    x = jax.random.normal(ks[0], (N, IN_FEAT), dtype=jnp.float32)
    edge_index = jax.random.randint(ks[1], (2, E), 0, N, dtype=jnp.int32)
    W_in = jax.random.normal(ks[2], (HIDDEN, IN_FEAT), dtype=jnp.float32) * (1.0 / np.sqrt(IN_FEAT))
    b_in = jnp.zeros((HIDDEN,), dtype=jnp.float32)
    coeffs0 = jax.random.normal(ks[3], (2, HIDDEN, HIDDEN, GRID), dtype=jnp.float32) / (np.sqrt(HIDDEN) * np.sqrt(GRID))
    W_out = jax.random.normal(ks[4], (OUT_FEAT, HIDDEN), dtype=jnp.float32) * (1.0 / np.sqrt(HIDDEN))
    return {"x": x, "edge_index": edge_index, "W_in": W_in, "b_in": b_in, "coeffs0": coeffs0, "W_out": W_out}


def _spmm(edge_index, h):
    # torch spmm(adj, x): out[row] += x[col]; adj indices = (row=dst, col=src), values = 1.0
    row = edge_index[0]
    col = edge_index[1]
    return jnp.zeros_like(h).at[row].add(h[col])


def _kan_layer(x, coeffs):
    # NaiveFourierKANLayer: y[n,o] = sum_{i,g} cos(k_g * x[n,i]) * coeffs[0,o,i,g]
    #                               + sum_{i,g} sin(k_g * x[n,i]) * coeffs[1,o,i,g]
    k = jnp.arange(1, GRID + 1, dtype=jnp.float32)
    ang = x[:, :, None] * k  # [N, in, grid]
    c = jnp.cos(ang)
    s = jnp.sin(ang)
    y = jnp.einsum('nig,oig->no', c, coeffs[0]) + jnp.einsum('nig,oig->no', s, coeffs[1])
    return y


def reference(x, edge_index, W_in, b_in, coeffs0, W_out):
    h = x @ W_in.T + b_in  # lin_in
    # loop runs over lins[:num_layers-1] -> exactly 1 KAN layer for num_layers=2
    h = _kan_layer(_spmm(edge_index, h), coeffs0)
    out = h @ W_out.T  # final Linear(hidden, out, bias=False)
    return jax.nn.log_softmax(out, axis=-1)

if __name__ == "__main__":
    import jax
    _d = setup_inputs()
    print(jax.jit(kernel)(*tuple(_d.values())))

</pallas_src>

<mosaic_0001>
#map = affine_map<(d0, d1) -> (0)>
#map1 = affine_map<(d0, d1) -> (0, 0)>
module attributes {stable_mosaic.version = 14 : i64} {
  func.func @_sc_spmm_body(%arg0: i32, %arg1: i32, %arg2: memref<320000xi32, #tpu.memory_space<hbm>>, %arg3: memref<320000xi32, #tpu.memory_space<hbm>>, %arg4: memref<10000x64xf32, #tpu.memory_space<hbm>>, %arg5: memref<625x64xf32, #tpu.memory_space<hbm>>, %arg6: memref<512xi32, #tpu.memory_space<hbm>>, %arg7: memref<512xi32, #tpu.memory_space<hbm>>, %arg8: memref<20000x128xf32, #tpu.memory_space<hbm>>, %arg9: memref<10240xi32, #tpu.memory_space<vmem>>, %arg10: memref<10240xi32, #tpu.memory_space<vmem>>, %arg11: memref<512x64xf32, #tpu.memory_space<vmem>>, %arg12: memref<512x64xf32, #tpu.memory_space<vmem>>, %arg13: memref<10512x64xf32, #tpu.memory_space<vmem_shared>>, %arg14: memref<!tpu.dma_semaphore, #tpu.memory_space<semaphore_mem>>, %arg15: memref<!tpu.dma_semaphore, #tpu.memory_space<semaphore_mem>>, %arg16: memref<!tpu.dma_semaphore, #tpu.memory_space<semaphore_mem>>, %arg17: memref<!tpu.dma_semaphore, #tpu.memory_space<semaphore_mem>>) attributes {dimension_semantics = [#tpu.dimension_semantics<core_parallel>, #tpu.dimension_semantics<subcore_parallel>], iteration_bounds = array<i64: 2, 16>, scalar_prefetch = 0 : i64, scratch_operands = 9 : i64, tpu.core_type = #tpu.core_type<sc_vector_subcore>, window_params = [{transform_indices = #map}, {transform_indices = #map}, {transform_indices = #map1}, {transform_indices = #map1}, {transform_indices = #map}, {transform_indices = #map}, {transform_indices = #map1}]} {
    %mul3A = arith.constant 16 : i32
    %mul3A_0 = arith.muli %arg0, %mul3A : i32
    %add3A = arith.addi %mul3A_0, %arg1 : i32
    %mul3A_1 = arith.constant 625 : i32
    %mul3A_2 = arith.muli %arg1, %mul3A_1 : i32
    "tpu.region"() ({
      %run_scoped3A = tpu.sem_alloc : memref<!tpu.dma_semaphore, #tpu.memory_space<semaphore_mem>>
      %dma_start3A_66 = arith.constant 0 : i32
      %dma_start3A_67 = tpu.memref_slice %arg13[%mul3A_2, %dma_start3A_66] : memref<10512x64xf32, #tpu.memory_space<vmem_shared>> -> memref<625x64xf32, #tpu.memory_space<vmem_shared>>
      tpu.enqueue_dma source(%arg5 : memref<625x64xf32, #tpu.memory_space<hbm>>) target(%dma_start3A_67 : memref<625x64xf32, #tpu.memory_space<vmem_shared>>) target_semaphore(%run_scoped3A : memref<!tpu.dma_semaphore, #tpu.memory_space<semaphore_mem>>)
      %dma_wait3A_68 = arith.constant 0 : i32
      %dma_wait3A_69 = tpu.memref_slice %arg13[%mul3A_2, %dma_wait3A_68] : memref<10512x64xf32, #tpu.memory_space<vmem_shared>> -> memref<625x64xf32, #tpu.memory_space<vmem_shared>>
      tpu.wait_dma2 semaphore(%run_scoped3A : memref<!tpu.dma_semaphore, #tpu.memory_space<semaphore_mem>>) src(%arg5 : memref<625x64xf32, #tpu.memory_space<hbm>>) dst(%dma_wait3A_69 : memref<625x64xf32, #tpu.memory_space<vmem_shared>>)
      tpu.yield
    }) : () -> ()
    %mul3A_3 = arith.constant 19 : i32
    %mul3A_4 = arith.muli %mul3A_3, %add3A : i32
    %min3A = arith.constant 17 : i32
    %min3A_5 = arith.minsi %add3A, %min3A : i32
    %add3A_6 = arith.addi %mul3A_4, %min3A_5 : i32
    %mul3A_7 = arith.constant 512 : i32
    %mul3A_8 = arith.muli %add3A_6, %mul3A_7 : i32
    "tpu.region"() ({
      %run_scoped3A = tpu.sem_alloc : memref<!tpu.dma_semaphore, #tpu.memory_space<semaphore_mem>>
      %dma_start3A_66 = arith.constant 0 : i32
      %dma_start3A_67 = tpu.memref_slice %arg10[%dma_start3A_66] : memref<10240xi32, #tpu.memory_space<vmem>> -> memref<9728xi32, #tpu.memory_space<vmem>>
      %dma_start3A_68 = tpu.memref_slice %arg2[%mul3A_8] : memref<320000xi32, #tpu.memory_space<hbm>> -> memref<9728xi32, #tpu.memory_space<hbm>>
      %dma_start3A_69 = arith.constant 0 : i32
      %dma_start3A_70 = tpu.memref_slice %arg10[%dma_start3A_69] : memref<10240xi32, #tpu.memory_space<vmem>> -> memref<9728xi32, #tpu.memory_space<vmem>>
      %dma_start3A_71 = tpu.memref_slice %arg2[%mul3A_8] : memref<320000xi32, #tpu.memory_space<hbm>> -> memref<9728xi32, #tpu.memory_space<hbm>>
      tpu.enqueue_dma source(%dma_start3A_71 : memref<9728xi32, #tpu.memory_space<hbm>>) target(%dma_start3A_70 : memref<9728xi32, #tpu.memory_space<vmem>>) target_semaphore(%run_scoped3A : memref<!tpu.dma_semaphore, #tpu.memory_space<semaphore_mem>>)
      %dma_wait3A_72 = arith.constant 0 : i32
      %dma_wait3A_73 = tpu.memref_slice %arg10[%dma_wait3A_72] : memref<10240xi32, #tpu.memory_space<vmem>> -> memref<9728xi32, #tpu.memory_space<vmem>>
      %dma_wait3A_74 = tpu.memref_slice %arg2[%mul3A_8] : memref<320000xi32, #tpu.memory_space<hbm>> -> memref<9728xi32, #tpu.memory_space<hbm>>
      %dma_wait3A_75 = arith.constant 0 : i32
      %dma_wait3A_76 = tpu.memref_slice %arg10[%dma_wait3A_75] : memref<10240xi32, #tpu.memory_space<vmem>> -> memref<9728xi32, #tpu.memory_space<vmem>>
      %dma_wait3A_77 = tpu.memref_slice %arg2[%mul3A_8] : memref<320000xi32, #tpu.memory_space<hbm>> -> memref<9728xi32, #tpu.memory_space<hbm>>
      tpu.wait_dma2 semaphore(%run_scoped3A : memref<!tpu.dma_semaphore, #tpu.memory_space<semaphore_mem>>) src(%dma_wait3A_77 : memref<9728xi32, #tpu.memory_space<hbm>>) dst(%dma_wait3A_76 : memref<9728xi32, #tpu.memory_space<vmem>>)
      tpu.yield
    }) : () -> ()
    "tpu.region"() ({
      %run_scoped3A = tpu.sem_alloc : memref<!tpu.dma_semaphore, #tpu.memory_space<semaphore_mem>>
      %dma_start3A_66 = arith.constant 0 : i32
      %dma_start3A_67 = tpu.memref_slice %arg9[%dma_start3A_66] : memref<10240xi32, #tpu.memory_space<vmem>> -> memref<9728xi32, #tpu.memory_space<vmem>>
      %dma_start3A_68 = tpu.memref_slice %arg3[%mul3A_8] : memref<320000xi32, #tpu.memory_space<hbm>> -> memref<9728xi32, #tpu.memory_space<hbm>>
      %dma_start3A_69 = arith.constant 0 : i32
      %dma_start3A_70 = tpu.memref_slice %arg9[%dma_start3A_69] : memref<10240xi32, #tpu.memory_space<vmem>> -> memref<9728xi32, #tpu.memory_space<vmem>>
      %dma_start3A_71 = tpu.memref_slice %arg3[%mul3A_8] : memref<320000xi32, #tpu.memory_space<hbm>> -> memref<9728xi32, #tpu.memory_space<hbm>>
      tpu.enqueue_dma source(%dma_start3A_71 : memref<9728xi32, #tpu.memory_space<hbm>>) target(%dma_start3A_70 : memref<9728xi32, #tpu.memory_space<vmem>>) target_semaphore(%run_scoped3A : memref<!tpu.dma_semaphore, #tpu.memory_space<semaphore_mem>>)
      %dma_wait3A_72 = arith.constant 0 : i32
      %dma_wait3A_73 = tpu.memref_slice %arg9[%dma_wait3A_72] : memref<10240xi32, #tpu.memory_space<vmem>> -> memref<9728xi32, #tpu.memory_space<vmem>>
      %dma_wait3A_74 = tpu.memref_slice %arg3[%mul3A_8] : memref<320000xi32, #tpu.memory_space<hbm>> -> memref<9728xi32, #tpu.memory_space<hbm>>
      %dma_wait3A_75 = arith.constant 0 : i32
      %dma_wait3A_76 = tpu.memref_slice %arg9[%dma_wait3A_75] : memref<10240xi32, #tpu.memory_space<vmem>> -> memref<9728xi32, #tpu.memory_space<vmem>>
      %dma_wait3A_77 = tpu.memref_slice %arg3[%mul3A_8] : memref<320000xi32, #tpu.memory_space<hbm>> -> memref<9728xi32, #tpu.memory_space<hbm>>
      tpu.wait_dma2 semaphore(%run_scoped3A : memref<!tpu.dma_semaphore, #tpu.memory_space<semaphore_mem>>) src(%dma_wait3A_77 : memref<9728xi32, #tpu.memory_space<hbm>>) dst(%dma_wait3A_76 : memref<9728xi32, #tpu.memory_space<vmem>>)
      tpu.yield
    }) : () -> ()
    %lt3A = arith.constant 17 : i32
    %lt3A_9 = arith.cmpi slt, %add3A, %lt3A : i32
    %convert_element_type3A = arith.extui %lt3A_9 : i1 to i32
    %cond3A = arith.constant 0 : i32
    %cond3A_10 = arith.cmpi ne, %convert_element_type3A, %cond3A : i32
    scf.if %cond3A_10 {
      %add3A_66 = arith.constant 9728 : i32
      %add3A_67 = arith.addi %mul3A_8, %add3A_66 : i32
      "tpu.region"() ({
        %run_scoped3A = tpu.sem_alloc : memref<!tpu.dma_semaphore, #tpu.memory_space<semaphore_mem>>
        %dma_start3A_70 = arith.constant 9728 : i32
        %dma_start3A_71 = tpu.memref_slice %arg10[%dma_start3A_70] : memref<10240xi32, #tpu.memory_space<vmem>> -> memref<512xi32, #tpu.memory_space<vmem>>
        %dma_start3A_72 = tpu.memref_slice %arg2[%add3A_67] : memref<320000xi32, #tpu.memory_space<hbm>> -> memref<512xi32, #tpu.memory_space<hbm>>
        %dma_start3A_73 = arith.constant 9728 : i32
        %dma_start3A_74 = tpu.memref_slice %arg10[%dma_start3A_73] : memref<10240xi32, #tpu.memory_space<vmem>> -> memref<512xi32, #tpu.memory_space<vmem>>
        %dma_start3A_75 = tpu.memref_slice %arg2[%add3A_67] : memref<320000xi32, #tpu.memory_space<hbm>> -> memref<512xi32, #tpu.memory_space<hbm>>
        tpu.enqueue_dma source(%dma_start3A_75 : memref<512xi32, #tpu.memory_space<hbm>>) target(%dma_start3A_74 : memref<512xi32, #tpu.memory_space<vmem>>) target_semaphore(%run_scoped3A : memref<!tpu.dma_semaphore, #tpu.memory_space<semaphore_mem>>)
        %dma_wait3A_76 = arith.constant 9728 : i32
        %dma_wait3A_77 = tpu.memref_slice %arg10[%dma_wait3A_76] : memref<10240xi32, #tpu.memory_space<vmem>> -> memref<512xi32, #tpu.memory_space<vmem>>
        %dma_wait3A_78 = tpu.memref_slice %arg2[%add3A_67] : memref<320000xi32, #tpu.memory_space<hbm>> -> memref<512xi32, #tpu.memory_space<hbm>>
        %dma_wait3A_79 = arith.constant 9728 : i32
        %dma_wait3A_80 = tpu.memref_slice %arg10[%dma_wait3A_79] : memref<10240xi32, #tpu.memory_space<vmem>> -> memref<512xi32, #tpu.memory_space<vmem>>
        %dma_wait3A_81 = tpu.memref_slice %arg2[%add3A_67] : memref<320000xi32, #tpu.memory_space<hbm>> -> memref<512xi32, #tpu.memory_space<hbm>>
        tpu.wait_dma2 semaphore(%run_scoped3A : memref<!tpu.dma_semaphore, #tpu.memory_space<semaphore_mem>>) src(%dma_wait3A_81 : memref<512xi32, #tpu.memory_space<hbm>>) dst(%dma_wait3A_80 : memref<512xi32, #tpu.memory_space<vmem>>)
        tpu.yield
      }) : () -> ()
      %add3A_68 = arith.constant 9728 : i32
      %add3A_69 = arith.addi %mul3A_8, %add3A_68 : i32
      "tpu.region"() ({
        %run_scoped3A = tpu.sem_alloc : memref<!tpu.dma_semaphore, #tpu.memory_space<semaphore_mem>>
        %dma_start3A_70 = arith.constant 9728 : i32
        %dma_start3A_71 = tpu.memref_slice %arg9[%dma_start3A_70] : memref<10240xi32, #tpu.memory_space<vmem>> -> memref<512xi32, #tpu.memory_space<vmem>>
        %dma_start3A_72 = tpu.memref_slice %arg3[%add3A_69] : memref<320000xi32, #tpu.memory_space<hbm>> -> memref<512xi32, #tpu.memory_space<hbm>>
        %dma_start3A_73 = arith.constant 9728 : i32
        %dma_start3A_74 = tpu.memref_slice %arg9[%dma_start3A_73] : memref<10240xi32, #tpu.memory_space<vmem>> -> memref<512xi32, #tpu.memory_space<vmem>>
        %dma_start3A_75 = tpu.memref_slice %arg3[%add3A_69] : memref<320000xi32, #tpu.memory_space<hbm>> -> memref<512xi32, #tpu.memory_space<hbm>>
        tpu.enqueue_dma source(%dma_start3A_75 : memref<512xi32, #tpu.memory_space<hbm>>) target(%dma_start3A_74 : memref<512xi32, #tpu.memory_space<vmem>>) target_semaphore(%run_scoped3A : memref<!tpu.dma_semaphore, #tpu.memory_space<semaphore_mem>>)
        %dma_wait3A_76 = arith.constant 9728 : i32
        %dma_wait3A_77 = tpu.memref_slice %arg9[%dma_wait3A_76] : memref<10240xi32, #tpu.memory_space<vmem>> -> memref<512xi32, #tpu.memory_space<vmem>>
        %dma_wait3A_78 = tpu.memref_slice %arg3[%add3A_69] : memref<320000xi32, #tpu.memory_space<hbm>> -> memref<512xi32, #tpu.memory_space<hbm>>
        %dma_wait3A_79 = arith.constant 9728 : i32
        %dma_wait3A_80 = tpu.memref_slice %arg9[%dma_wait3A_79] : memref<10240xi32, #tpu.memory_space<vmem>> -> memref<512xi32, #tpu.memory_space<vmem>>
        %dma_wait3A_81 = tpu.memref_slice %arg3[%add3A_69] : memref<320000xi32, #tpu.memory_space<hbm>> -> memref<512xi32, #tpu.memory_space<hbm>>
        tpu.wait_dma2 semaphore(%run_scoped3A : memref<!tpu.dma_semaphore, #tpu.memory_space<semaphore_mem>>) src(%dma_wait3A_81 : memref<512xi32, #tpu.memory_space<hbm>>) dst(%dma_wait3A_80 : memref<512xi32, #tpu.memory_space<vmem>>)
        tpu.yield
      }) : () -> ()
    } else {
    }
    %ge3A = arith.constant 17 : i32
    %ge3A_11 = arith.cmpi sge, %add3A, %ge3A : i32
    %convert_element_type3A_12 = arith.extui %ge3A_11 : i1 to i32
    %cond3A_13 = arith.constant 0 : i32
    %cond3A_14 = arith.cmpi ne, %convert_element_type3A_12, %cond3A_13 : i32
    scf.if %cond3A_14 {
      "tpu.region"() ({
        %run_scoped3A = tpu.sem_alloc : memref<!tpu.dma_semaphore, #tpu.memory_space<semaphore_mem>>
        %dma_start3A_66 = arith.constant 9728 : i32
        %dma_start3A_67 = tpu.memref_slice %arg10[%dma_start3A_66] : memref<10240xi32, #tpu.memory_space<vmem>> -> memref<512xi32, #tpu.memory_space<vmem>>
        %dma_start3A_68 = arith.constant 9728 : i32
        %dma_start3A_69 = tpu.memref_slice %arg10[%dma_start3A_68] : memref<10240xi32, #tpu.memory_space<vmem>> -> memref<512xi32, #tpu.memory_space<vmem>>
        tpu.enqueue_dma source(%arg6 : memref<512xi32, #tpu.memory_space<hbm>>) target(%dma_start3A_69 : memref<512xi32, #tpu.memory_space<vmem>>) target_semaphore(%run_scoped3A : memref<!tpu.dma_semaphore, #tpu.memory_space<semaphore_mem>>)
        %dma_wait3A_70 = arith.constant 9728 : i32
        %dma_wait3A_71 = tpu.memref_slice %arg10[%dma_wait3A_70] : memref<10240xi32, #tpu.memory_space<vmem>> -> memref<512xi32, #tpu.memory_space<vmem>>
        %dma_wait3A_72 = arith.constant 9728 : i32
        %dma_wait3A_73 = tpu.memref_slice %arg10[%dma_wait3A_72] : memref<10240xi32, #tpu.memory_space<vmem>> -> memref<512xi32, #tpu.memory_space<vmem>>
        tpu.wait_dma2 semaphore(%run_scoped3A : memref<!tpu.dma_semaphore, #tpu.memory_space<semaphore_mem>>) src(%arg6 : memref<512xi32, #tpu.memory_space<hbm>>) dst(%dma_wait3A_73 : memref<512xi32, #tpu.memory_space<vmem>>)
        tpu.yield
      }) : () -> ()
      "tpu.region"() ({
        %run_scoped3A = tpu.sem_alloc : memref<!tpu.dma_semaphore, #tpu.memory_space<semaphore_mem>>
        %dma_start3A_66 = arith.constant 9728 : i32
        %dma_start3A_67 = tpu.memref_slice %arg9[%dma_start3A_66] : memref<10240xi32, #tpu.memory_space<vmem>> -> memref<512xi32, #tpu.memory_space<vmem>>
        %dma_start3A_68 = arith.constant 9728 : i32
        %dma_start3A_69 = tpu.memref_slice %arg9[%dma_start3A_68] : memref<10240xi32, #tpu.memory_space<vmem>> -> memref<512xi32, #tpu.memory_space<vmem>>
        tpu.enqueue_dma source(%arg7 : memref<512xi32, #tpu.memory_space<hbm>>) target(%dma_start3A_69 : memref<512xi32, #tpu.memory_space<vmem>>) target_semaphore(%run_scoped3A : memref<!tpu.dma_semaphore, #tpu.memory_space<semaphore_mem>>)
        %dma_wait3A_70 = arith.constant 9728 : i32
        %dma_wait3A_71 = tpu.memref_slice %arg9[%dma_wait3A_70] : memref<10240xi32, #tpu.memory_space<vmem>> -> memref<512xi32, #tpu.memory_space<vmem>>
        %dma_wait3A_72 = arith.constant 9728 : i32
        %dma_wait3A_73 = tpu.memref_slice %arg9[%dma_wait3A_72] : memref<10240xi32, #tpu.memory_space<vmem>> -> memref<512xi32, #tpu.memory_space<vmem>>
        tpu.wait_dma2 semaphore(%run_scoped3A : memref<!tpu.dma_semaphore, #tpu.memory_space<semaphore_mem>>) src(%arg7 : memref<512xi32, #tpu.memory_space<hbm>>) dst(%dma_wait3A_73 : memref<512xi32, #tpu.memory_space<vmem>>)
        tpu.yield
      }) : () -> ()
    } else {
    }
    %barrier3A = arith.constant 0 : index
    tpu.barrier barrier_id(%barrier3A)
    %dma_start3A = arith.constant 0 : i32
    %dma_start3A_15 = tpu.memref_slice %arg9[%dma_start3A] : memref<10240xi32, #tpu.memory_space<vmem>> -> memref<512xi32, #tpu.memory_space<vmem>>
    %dma_start3A_16 = arith.constant 0 : i32
    %dma_start3A_17 = arith.constant 0 : i32
    %dma_start3A_18 = tpu.memref_slice %arg4[%dma_start3A_16, %dma_start3A_17] : memref<10000x64xf32, #tpu.memory_space<hbm>> -> memref<10000x64xf32, #tpu.memory_space<hbm>>
    tpu.enqueue_indirect_dma source(%dma_start3A_18 : memref<10000x64xf32, #tpu.memory_space<hbm>>) target(%arg11 : memref<512x64xf32, #tpu.memory_space<vmem>>) offsets(%dma_start3A_15 : memref<512xi32, #tpu.memory_space<vmem>>) semaphore(%arg14 : memref<!tpu.dma_semaphore, #tpu.memory_space<semaphore_mem>>)
    %dma_start3A_19 = arith.constant 512 : i32
    %dma_start3A_20 = tpu.memref_slice %arg9[%dma_start3A_19] : memref<10240xi32, #tpu.memory_space<vmem>> -> memref<512xi32, #tpu.memory_space<vmem>>
    %dma_start3A_21 = arith.constant 0 : i32
    %dma_start3A_22 = arith.constant 0 : i32
    %dma_start3A_23 = tpu.memref_slice %arg4[%dma_start3A_21, %dma_start3A_22] : memref<10000x64xf32, #tpu.memory_space<hbm>> -> memref<10000x64xf32, #tpu.memory_space<hbm>>
    tpu.enqueue_indirect_dma source(%dma_start3A_23 : memref<10000x64xf32, #tpu.memory_space<hbm>>) target(%arg12 : memref<512x64xf32, #tpu.memory_space<vmem>>) offsets(%dma_start3A_20 : memref<512xi32, #tpu.memory_space<vmem>>) semaphore(%arg15 : memref<!tpu.dma_semaphore, #tpu.memory_space<semaphore_mem>>)
    %scan3A = arith.constant 0 : i32
    %scan3A_24 = arith.constant 0 : i32
    %scan3A_25 = arith.constant 9 : i32
    %scan3A_26 = arith.addi %scan3A_24, %scan3A_25 : i32
    %scan3A_27 = arith.constant 1 : i32
    scf.for %scan3A_66 = %scan3A_24 to %scan3A_26 step %scan3A_27  : i32 {
      %mul3A_67 = arith.constant 2 : i32
      %mul3A_68 = arith.muli %scan3A_66, %mul3A_67 : i32
      %mul3A_69 = arith.constant 512 : i32
      %mul3A_70 = arith.muli %mul3A_68, %mul3A_69 : i32
      %add3A_71 = arith.constant 1 : i32
      %add3A_72 = arith.addi %mul3A_68, %add3A_71 : i32
      %mul3A_73 = arith.constant 512 : i32
      %mul3A_74 = arith.muli %add3A_72, %mul3A_73 : i32
      %add3A_75 = arith.constant 2 : i32
      %add3A_76 = arith.addi %mul3A_68, %add3A_75 : i32
      %mul3A_77 = arith.constant 512 : i32
      %mul3A_78 = arith.muli %add3A_76, %mul3A_77 : i32
      %add3A_79 = arith.constant 3 : i32
      %add3A_80 = arith.addi %mul3A_68, %add3A_79 : i32
      %mul3A_81 = arith.constant 512 : i32
      %mul3A_82 = arith.muli %add3A_80, %mul3A_81 : i32
      %dma_wait3A_83 = tpu.memref_slice %arg9[%mul3A_70] : memref<10240xi32, #tpu.memory_space<vmem>> -> memref<512xi32, #tpu.memory_space<vmem>>
      %dma_wait3A_84 = arith.constant 0 : i32
      %dma_wait3A_85 = arith.constant 0 : i32
      %dma_wait3A_86 = tpu.memref_slice %arg4[%dma_wait3A_84, %dma_wait3A_85] : memref<10000x64xf32, #tpu.memory_space<hbm>> -> memref<10000x64xf32, #tpu.memory_space<hbm>>
      tpu.wait_indirect_dma semaphore(%arg14 : memref<!tpu.dma_semaphore, #tpu.memory_space<semaphore_mem>>) src(%dma_wait3A_86 : memref<10000x64xf32, #tpu.memory_space<hbm>>) dst(%arg11 : memref<512x64xf32, #tpu.memory_space<vmem>>)
      %dma_start3A_87 = tpu.memref_slice %arg10[%mul3A_70] : memref<10240xi32, #tpu.memory_space<vmem>> -> memref<512xi32, #tpu.memory_space<vmem>>
      %dma_start3A_88 = arith.constant 0 : i32
      %dma_start3A_89 = arith.constant 0 : i32
      %dma_start3A_90 = tpu.memref_slice %arg13[%dma_start3A_88, %dma_start3A_89] : memref<10512x64xf32, #tpu.memory_space<vmem_shared>> -> memref<10512x64xf32, #tpu.memory_space<vmem_shared>>
      tpu.enqueue_indirect_dma source(%arg11 : memref<512x64xf32, #tpu.memory_space<vmem>>) target(%dma_start3A_90 : memref<10512x64xf32, #tpu.memory_space<vmem_shared>>) offsets(%dma_start3A_87 : memref<512xi32, #tpu.memory_space<vmem>>) semaphore(%arg16 : memref<!tpu.dma_semaphore, #tpu.memory_space<semaphore_mem>>) {add = true}
      %dma_wait3A_91 = tpu.memref_slice %arg9[%mul3A_74] : memref<10240xi32, #tpu.memory_space<vmem>> -> memref<512xi32, #tpu.memory_space<vmem>>
      %dma_wait3A_92 = arith.constant 0 : i32
      %dma_wait3A_93 = arith.constant 0 : i32
      %dma_wait3A_94 = tpu.memref_slice %arg4[%dma_wait3A_92, %dma_wait3A_93] : memref<10000x64xf32, #tpu.memory_space<hbm>> -> memref<10000x64xf32, #tpu.memory_space<hbm>>
      tpu.wait_indirect_dma semaphore(%arg15 : memref<!tpu.dma_semaphore, #tpu.memory_space<semaphore_mem>>) src(%dma_wait3A_94 : memref<10000x64xf32, #tpu.memory_space<hbm>>) dst(%arg12 : memref<512x64xf32, #tpu.memory_space<vmem>>)
      %dma_start3A_95 = tpu.memref_slice %arg10[%mul3A_74] : memref<10240xi32, #tpu.memory_space<vmem>> -> memref<512xi32, #tpu.memory_space<vmem>>
      %dma_start3A_96 = arith.constant 0 : i32
      %dma_start3A_97 = arith.constant 0 : i32
      %dma_start3A_98 = tpu.memref_slice %arg13[%dma_start3A_96, %dma_start3A_97] : memref<10512x64xf32, #tpu.memory_space<vmem_shared>> -> memref<10512x64xf32, #tpu.memory_space<vmem_shared>>
      tpu.enqueue_indirect_dma source(%arg12 : memref<512x64xf32, #tpu.memory_space<vmem>>) target(%dma_start3A_98 : memref<10512x64xf32, #tpu.memory_space<vmem_shared>>) offsets(%dma_start3A_95 : memref<512xi32, #tpu.memory_space<vmem>>) semaphore(%arg17 : memref<!tpu.dma_semaphore, #tpu.memory_space<semaphore_mem>>) {add = true}
      %dma_wait3A_99 = tpu.memref_slice %arg10[%mul3A_70] : memref<10240xi32, #tpu.memory_space<vmem>> -> memref<512xi32, #tpu.memory_space<vmem>>
      %dma_wait3A_100 = arith.constant 0 : i32
      %dma_wait3A_101 = arith.constant 0 : i32
      %dma_wait3A_102 = tpu.memref_slice %arg13[%dma_wait3A_100, %dma_wait3A_101] : memref<10512x64xf32, #tpu.memory_space<vmem_shared>> -> memref<10512x64xf32, #tpu.memory_space<vmem_shared>>
      tpu.wait_indirect_dma semaphore(%arg16 : memref<!tpu.dma_semaphore, #tpu.memory_space<semaphore_mem>>) src(%arg11 : memref<512x64xf32, #tpu.memory_space<vmem>>) dst(%dma_wait3A_102 : memref<10512x64xf32, #tpu.memory_space<vmem_shared>>)
      %dma_start3A_103 = tpu.memref_slice %arg9[%mul3A_78] : memref<10240xi32, #tpu.memory_space<vmem>> -> memref<512xi32, #tpu.memory_space<vmem>>
      %dma_start3A_104 = arith.constant 0 : i32
      %dma_start3A_105 = arith.constant 0 : i32
      %dma_start3A_106 = tpu.memref_slice %arg4[%dma_start3A_104, %dma_start3A_105] : memref<10000x64xf32, #tpu.memory_space<hbm>> -> memref<10000x64xf32, #tpu.memory_space<hbm>>
      tpu.enqueue_indirect_dma source(%dma_start3A_106 : memref<10000x64xf32, #tpu.memory_space<hbm>>) target(%arg11 : memref<512x64xf32, #tpu.memory_space<vmem>>) offsets(%dma_start3A_103 : memref<512xi32, #tpu.memory_space<vmem>>) semaphore(%arg14 : memref<!tpu.dma_semaphore, #tpu.memory_space<semaphore_mem>>)
      %dma_wait3A_107 = tpu.memref_slice %arg10[%mul3A_74] : memref<10240xi32, #tpu.memory_space<vmem>> -> memref<512xi32, #tpu.memory_space<vmem>>
      %dma_wait3A_108 = arith.constant 0 : i32
      %dma_wait3A_109 = arith.constant 0 : i32
      %dma_wait3A_110 = tpu.memref_slice %arg13[%dma_wait3A_108, %dma_wait3A_109] : memref<10512x64xf32, #tpu.memory_space<vmem_shared>> -> memref<10512x64xf32, #tpu.memory_space<vmem_shared>>
      tpu.wait_indirect_dma semaphore(%arg17 : memref<!tpu.dma_semaphore, #tpu.memory_space<semaphore_mem>>) src(%arg12 : memref<512x64xf32, #tpu.memory_space<vmem>>) dst(%dma_wait3A_110 : memref<10512x64xf32, #tpu.memory_space<vmem_shared>>)
      %dma_start3A_111 = tpu.memref_slice %arg9[%mul3A_82] : memref<10240xi32, #tpu.memory_space<vmem>> -> memref<512xi32, #tpu.memory_space<vmem>>
      %dma_start3A_112 = arith.constant 0 : i32
      %dma_start3A_113 = arith.constant 0 : i32
      %dma_start3A_114 = tpu.memref_slice %arg4[%dma_start3A_112, %dma_start3A_113] : memref<10000x64xf32, #tpu.memory_space<hbm>> -> memref<10000x64xf32, #tpu.memory_space<hbm>>
      tpu.enqueue_indirect_dma source(%dma_start3A_114 : memref<10000x64xf32, #tpu.memory_space<hbm>>) target(%arg12 : memref<512x64xf32, #tpu.memory_space<vmem>>) offsets(%dma_start3A_111 : memref<512xi32, #tpu.memory_space<vmem>>) semaphore(%arg15 : memref<!tpu.dma_semaphore, #tpu.memory_space<semaphore_mem>>)
    }
    %scan3A_28 = arith.constant 9 : i32
    %dma_wait3A = arith.constant 9216 : i32
    %dma_wait3A_29 = tpu.memref_slice %arg9[%dma_wait3A] : memref<10240xi32, #tpu.memory_space<vmem>> -> memref<512xi32, #tpu.memory_space<vmem>>
    %dma_wait3A_30 = arith.constant 0 : i32
    %dma_wait3A_31 = arith.constant 0 : i32
    %dma_wait3A_32 = tpu.memref_slice %arg4[%dma_wait3A_30, %dma_wait3A_31] : memref<10000x64xf32, #tpu.memory_space<hbm>> -> memref<10000x64xf32, #tpu.memory_space<hbm>>
    tpu.wait_indirect_dma semaphore(%arg14 : memref<!tpu.dma_semaphore, #tpu.memory_space<semaphore_mem>>) src(%dma_wait3A_32 : memref<10000x64xf32, #tpu.memory_space<hbm>>) dst(%arg11 : memref<512x64xf32, #tpu.memory_space<vmem>>)
    %dma_start3A_33 = arith.constant 9216 : i32
    %dma_start3A_34 = tpu.memref_slice %arg10[%dma_start3A_33] : memref<10240xi32, #tpu.memory_space<vmem>> -> memref<512xi32, #tpu.memory_space<vmem>>
    %dma_start3A_35 = arith.constant 0 : i32
    %dma_start3A_36 = arith.constant 0 : i32
    %dma_start3A_37 = tpu.memref_slice %arg13[%dma_start3A_35, %dma_start3A_36] : memref<10512x64xf32, #tpu.memory_space<vmem_shared>> -> memref<10512x64xf32, #tpu.memory_space<vmem_shared>>
    tpu.enqueue_indirect_dma source(%arg11 : memref<512x64xf32, #tpu.memory_space<vmem>>) target(%dma_start3A_37 : memref<10512x64xf32, #tpu.memory_space<vmem_shared>>) offsets(%dma_start3A_34 : memref<512xi32, #tpu.memory_space<vmem>>) semaphore(%arg16 : memref<!tpu.dma_semaphore, #tpu.memory_space<semaphore_mem>>) {add = true}
    %dma_wait3A_38 = arith.constant 9728 : i32
    %dma_wait3A_39 = tpu.memref_slice %arg9[%dma_wait3A_38] : memref<10240xi32, #tpu.memory_space<vmem>> -> memref<512xi32, #tpu.memory_space<vmem>>
    %dma_wait3A_40 = arith.constant 0 : i32
    %dma_wait3A_41 = arith.constant 0 : i32
    %dma_wait3A_42 = tpu.memref_slice %arg4[%dma_wait3A_40, %dma_wait3A_41] : memref<10000x64xf32, #tpu.memory_space<hbm>> -> memref<10000x64xf32, #tpu.memory_space<hbm>>
    tpu.wait_indirect_dma semaphore(%arg15 : memref<!tpu.dma_semaphore, #tpu.memory_space<semaphore_mem>>) src(%dma_wait3A_42 : memref<10000x64xf32, #tpu.memory_space<hbm>>) dst(%arg12 : memref<512x64xf32, #tpu.memory_space<vmem>>)
    %dma_start3A_43 = arith.constant 9728 : i32
    %dma_start3A_44 = tpu.memref_slice %arg10[%dma_start3A_43] : memref<10240xi32, #tpu.memory_space<vmem>> -> memref<512xi32, #tpu.memory_space<vmem>>
    %dma_start3A_45 = arith.constant 0 : i32
    %dma_start3A_46 = arith.constant 0 : i32
    %dma_start3A_47 = tpu.memref_slice %arg13[%dma_start3A_45, %dma_start3A_46] : memref<10512x64xf32, #tpu.memory_space<vmem_shared>> -> memref<10512x64xf32, #tpu.memory_space<vmem_shared>>
    tpu.enqueue_indirect_dma source(%arg12 : memref<512x64xf32, #tpu.memory_space<vmem>>) target(%dma_start3A_47 : memref<10512x64xf32, #tpu.memory_space<vmem_shared>>) offsets(%dma_start3A_44 : memref<512xi32, #tpu.memory_space<vmem>>) semaphore(%arg17 : memref<!tpu.dma_semaphore, #tpu.memory_space<semaphore_mem>>) {add = true}
    %dma_wait3A_48 = arith.constant 9216 : i32
    %dma_wait3A_49 = tpu.memref_slice %arg10[%dma_wait3A_48] : memref<10240xi32, #tpu.memory_space<vmem>> -> memref<512xi32, #tpu.memory_space<vmem>>
    %dma_wait3A_50 = arith.constant 0 : i32
    %dma_wait3A_51 = arith.constant 0 : i32
    %dma_wait3A_52 = tpu.memref_slice %arg13[%dma_wait3A_50, %dma_wait3A_51] : memref<10512x64xf32, #tpu.memory_space<vmem_shared>> -> memref<10512x64xf32, #tpu.memory_space<vmem_shared>>
    tpu.wait_indirect_dma semaphore(%arg16 : memref<!tpu.dma_semaphore, #tpu.memory_space<semaphore_mem>>) src(%arg11 : memref<512x64xf32, #tpu.memory_space<vmem>>) dst(%dma_wait3A_52 : memref<10512x64xf32, #tpu.memory_space<vmem_shared>>)
    %dma_wait3A_53 = arith.constant 9728 : i32
    %dma_wait3A_54 = tpu.memref_slice %arg10[%dma_wait3A_53] : memref<10240xi32, #tpu.memory_space<vmem>> -> memref<512xi32, #tpu.memory_space<vmem>>
    %dma_wait3A_55 = arith.constant 0 : i32
    %dma_wait3A_56 = arith.constant 0 : i32
    %dma_wait3A_57 = tpu.memref_slice %arg13[%dma_wait3A_55, %dma_wait3A_56] : memref<10512x64xf32, #tpu.memory_space<vmem_shared>> -> memref<10512x64xf32, #tpu.memory_space<vmem_shared>>
    tpu.wait_indirect_dma semaphore(%arg17 : memref<!tpu.dma_semaphore, #tpu.memory_space<semaphore_mem>>) src(%arg12 : memref<512x64xf32, #tpu.memory_space<vmem>>) dst(%dma_wait3A_57 : memref<10512x64xf32, #tpu.memory_space<vmem_shared>>)
    %barrier3A_58 = arith.constant 0 : index
    tpu.barrier barrier_id(%barrier3A_58)
    %mul3A_59 = arith.constant 625 : i32
    %mul3A_60 = arith.muli %arg1, %mul3A_59 : i32
    %mul3A_61 = arith.constant 10000 : i32
    %mul3A_62 = arith.muli %arg0, %mul3A_61 : i32
    %mul3A_63 = arith.constant 625 : i32
    %mul3A_64 = arith.muli %arg1, %mul3A_63 : i32
    %add3A_65 = arith.addi %mul3A_62, %mul3A_64 : i32
    "tpu.region"() ({
      %run_scoped3A = tpu.sem_alloc : memref<!tpu.dma_semaphore, #tpu.memory_space<semaphore_mem>>
      %dma_start3A_66 = arith.constant 0 : i32
      %dma_start3A_67 = tpu.memref_slice %arg8[%add3A_65, %dma_start3A_66] : memref<20000x128xf32, #tpu.memory_space<hbm>> -> memref<625x64xf32, #tpu.memory_space<hbm>>
      %dma_start3A_68 = arith.constant 0 : i32
      %dma_start3A_69 = tpu.memref_slice %arg13[%mul3A_60, %dma_start3A_68] : memref<10512x64xf32, #tpu.memory_space<vmem_shared>> -> memref<625x64xf32, #tpu.memory_space<vmem_shared>>
      tpu.enqueue_dma source(%dma_start3A_69 : memref<625x64xf32, #tpu.memory_space<vmem_shared>>) target(%dma_start3A_67 : memref<625x64xf32, #tpu.memory_space<hbm>>) target_semaphore(%run_scoped3A : memref<!tpu.dma_semaphore, #tpu.memory_space<semaphore_mem>>)
      %dma_wait3A_70 = arith.constant 0 : i32
      %dma_wait3A_71 = tpu.memref_slice %arg8[%add3A_65, %dma_wait3A_70] : memref<20000x128xf32, #tpu.memory_space<hbm>> -> memref<625x64xf32, #tpu.memory_space<hbm>>
      %dma_wait3A_72 = arith.constant 0 : i32
      %dma_wait3A_73 = tpu.memref_slice %arg13[%mul3A_60, %dma_wait3A_72] : memref<10512x64xf32, #tpu.memory_space<vmem_shared>> -> memref<625x64xf32, #tpu.memory_space<vmem_shared>>
      tpu.wait_dma2 semaphore(%run_scoped3A : memref<!tpu.dma_semaphore, #tpu.memory_space<semaphore_mem>>) src(%dma_wait3A_73 : memref<625x64xf32, #tpu.memory_space<vmem_shared>>) dst(%dma_wait3A_71 : memref<625x64xf32, #tpu.memory_space<hbm>>)
      tpu.yield
    }) : () -> ()
    return
  }
}

module attributes {stable_mosaic.version = 14 : i64} {
  func.func @_lin_in_body(%arg0: i32, %arg1: memref<2000x128xf32, #tpu.memory_space<vmem>>, %arg2: memref<2x320000xi32, #tpu.memory_space<vmem>>, %arg3: memref<64x128xf32, #tpu.memory_space<vmem>>, %arg4: memref<1x64xf32, #tpu.memory_space<vmem>>, %arg5: memref<2000x64xf32, #tpu.memory_space<vmem>>, %arg6: memref<320000xi32, #tpu.memory_space<vmem>>, %arg7: memref<320000xi32, #tpu.memory_space<vmem>>) attributes {dimension_semantics = [#tpu.dimension_semantics<arbitrary>], iteration_bounds = array<i64: 5>, scalar_prefetch = 0 : i64, scratch_operands = 0 : i64, tpu.core_type = #tpu.core_type<tc>, window_params = [{transform_indices = @transform_0, window_bounds = array<i64: 2000, 128>}, {pipeline_mode = #tpu.pipeline_mode<synchronous>, transform_indices = @transform_1, window_bounds = array<i64: 2, 320000>}, {pipeline_mode = #tpu.pipeline_mode<synchronous>, transform_indices = @transform_2, window_bounds = array<i64: 64, 128>}, {pipeline_mode = #tpu.pipeline_mode<synchronous>, transform_indices = @transform_3, window_bounds = array<i64: 1, 64>}, {transform_indices = @transform_4, window_bounds = array<i64: 2000, 64>}, {pipeline_mode = #tpu.pipeline_mode<synchronous>, transform_indices = @transform_5, window_bounds = array<i64: 320000>}, {pipeline_mode = #tpu.pipeline_mode<synchronous>, transform_indices = @transform_6, window_bounds = array<i64: 320000>}]} {
    %get3A = arith.constant 0 : index
    %get3A_0 = arith.constant 0 : index
    %get3A_1 = vector.load %arg1[%get3A, %get3A_0] : memref<2000x128xf32, #tpu.memory_space<vmem>>, vector<2000x128xf32>
    %get3A_2 = arith.constant 0 : index
    %get3A_3 = arith.constant 0 : index
    %get3A_4 = vector.load %arg3[%get3A_2, %get3A_3] : memref<64x128xf32, #tpu.memory_space<vmem>>, vector<64x128xf32>
    %dot_general3A = arith.constant dense<0.000000e+00> : vector<2000x64xf32>
    %dot_general3A_5 = tpu.matmul %get3A_1, %get3A_4, %dot_general3A {dimension_numbers = #tpu.dot_dimension_numbers<[1], [1], [0], [0], [0, 0, 1, 0], [], []>, transpose_lhs_hint = false} : vector<2000x128xf32>, vector<64x128xf32>, vector<2000x64xf32> -> vector<2000x64xf32>
    %get3A_6 = arith.constant 0 : index
    %get3A_7 = arith.constant 0 : index
    %get3A_8 = vector.load %arg4[%get3A_6, %get3A_7] : memref<1x64xf32, #tpu.memory_space<vmem>>, vector<1x64xf32>
    %add3A = vector.broadcast %get3A_8 : vector<1x64xf32> to vector<2000x64xf32>
    %add3A_9 = arith.addf %dot_general3A_5, %add3A : vector<2000x64xf32>
    %swap3A = arith.constant 0 : index
    %swap3A_10 = arith.constant 0 : index
    %swap3A_11 = vector.load %arg5[%swap3A, %swap3A_10] : memref<2000x64xf32, #tpu.memory_space<vmem>>, vector<2000x64xf32>
    tpu.vector_store %arg5[%swap3A, %swap3A_10], %add3A_9 {strides = array<i32>} : memref<2000x64xf32, #tpu.memory_space<vmem>>, vector<2000x64xf32>,
    %eq3A = arith.constant 0 : i32
    %eq3A_12 = arith.cmpi eq, %arg0, %eq3A : i32
    %convert_element_type3A = arith.extui %eq3A_12 : i1 to i32
    %cond3A = arith.constant 0 : i32
    %cond3A_13 = arith.cmpi ne, %convert_element_type3A, %cond3A : i32
    scf.if %cond3A_13 {
      %get3A_14 = arith.constant 0 : index
      %get3A_15 = arith.constant 0 : index
      %get3A_16 = vector.load %arg2[%get3A_14, %get3A_15] : memref<2x320000xi32, #tpu.memory_space<vmem>>, vector<1x320000xi32>
      %get3A_17 = vector.shape_cast %get3A_16 : vector<1x320000xi32> to vector<320000xi32>
      %swap3A_18 = arith.constant 0 : index
      %swap3A_19 = vector.load %arg6[%swap3A_18] : memref<320000xi32, #tpu.memory_space<vmem>>, vector<320000xi32>
      tpu.vector_store %arg6[%swap3A_18], %get3A_17 {strides = array<i32>} : memref<320000xi32, #tpu.memory_space<vmem>>, vector<320000xi32>,
      %get3A_20 = arith.constant 1 : index
      %get3A_21 = arith.constant 0 : index
      %get3A_22 = vector.load %arg2[%get3A_20, %get3A_21] : memref<2x320000xi32, #tpu.memory_space<vmem>>, vector<1x320000xi32>
      %get3A_23 = vector.shape_cast %get3A_22 : vector<1x320000xi32> to vector<320000xi32>
      %swap3A_24 = arith.constant 0 : index
      %swap3A_25 = vector.load %arg7[%swap3A_24] : memref<320000xi32, #tpu.memory_space<vmem>>, vector<320000xi32>
      tpu.vector_store %arg7[%swap3A_24], %get3A_23 {strides = array<i32>} : memref<320000xi32, #tpu.memory_space<vmem>>, vector<320000xi32>,
    } else {
    }
    return
  }
  func.func @transform_0(%arg0: i32) -> (i32, i32) {
    %c0_i32 = arith.constant 0 : i32
    %c0_i32_0 = arith.constant 0 : i32
    return %arg0, %c0_i32 : i32, i32
  }
  func.func @transform_1(%arg0: i32) -> (i32, i32) {
    %c0_i32 = arith.constant 0 : i32
    %c0_i32_0 = arith.constant 0 : i32
    %c0_i32_1 = arith.constant 0 : i32
    return %c0_i32, %c0_i32_0 : i32, i32
  }
  func.func @transform_2(%arg0: i32) -> (i32, i32) {
    %c0_i32 = arith.constant 0 : i32
    %c0_i32_0 = arith.constant 0 : i32
    %c0_i32_1 = arith.constant 0 : i32
    return %c0_i32, %c0_i32_0 : i32, i32
  }
  func.func @transform_3(%arg0: i32) -> (i32, i32) {
    %c0_i32 = arith.constant 0 : i32
    %c0_i32_0 = arith.constant 0 : i32
    %c0_i32_1 = arith.constant 0 : i32
    return %c0_i32, %c0_i32_0 : i32, i32
  }
  func.func @transform_4(%arg0: i32) -> (i32, i32) {
    %c0_i32 = arith.constant 0 : i32
    %c0_i32_0 = arith.constant 0 : i32
    return %arg0, %c0_i32 : i32, i32
  }
  func.func @transform_5(%arg0: i32) -> i32 {
    %c0_i32 = arith.constant 0 : i32
    %c0_i32_0 = arith.constant 0 : i32
    return %c0_i32 : i32
  }
  func.func @transform_6(%arg0: i32) -> i32 {
    %c0_i32 = arith.constant 0 : i32
    %c0_i32_0 = arith.constant 0 : i32
    return %c0_i32 : i32
  }
}

module attributes {stable_mosaic.version = 14 : i64} {
  func.func @_post_body(%arg0: i32, %arg1: memref<2000x128xf32, #tpu.memory_space<vmem>>, %arg2: memref<2000x128xf32, #tpu.memory_space<vmem>>, %arg3: memref<4x64x64xf32, #tpu.memory_space<vmem>>, %arg4: memref<4x64x64xf32, #tpu.memory_space<vmem>>, %arg5: memref<64x64xf32, #tpu.memory_space<vmem>>, %arg6: memref<2000x64xf32, #tpu.memory_space<vmem>>) attributes {dimension_semantics = [#tpu.dimension_semantics<arbitrary>], iteration_bounds = array<i64: 5>, scalar_prefetch = 0 : i64, scratch_operands = 0 : i64, tpu.core_type = #tpu.core_type<tc>, window_params = [{transform_indices = @transform_0, window_bounds = array<i64: 2000, 128>}, {transform_indices = @transform_1, window_bounds = array<i64: 2000, 128>}, {pipeline_mode = #tpu.pipeline_mode<synchronous>, transform_indices = @transform_2, window_bounds = array<i64: 4, 64, 64>}, {pipeline_mode = #tpu.pipeline_mode<synchronous>, transform_indices = @transform_3, window_bounds = array<i64: 4, 64, 64>}, {pipeline_mode = #tpu.pipeline_mode<synchronous>, transform_indices = @transform_4, window_bounds = array<i64: 64, 64>}, {transform_indices = @transform_5, window_bounds = array<i64: 2000, 64>}]} {
    %get3A = arith.constant 0 : index
    %get3A_0 = arith.constant 0 : index
    %get3A_1 = vector.load %arg1[%get3A, %get3A_0] : memref<2000x128xf32, #tpu.memory_space<vmem>>, vector<2000x64xf32>
    %get3A_2 = arith.constant 0 : index
    %get3A_3 = arith.constant 0 : index
    %get3A_4 = vector.load %arg2[%get3A_2, %get3A_3] : memref<2000x128xf32, #tpu.memory_space<vmem>>, vector<2000x64xf32>
    %add3A = arith.addf %get3A_1, %get3A_4 : vector<2000x64xf32>
    %mul3A = arith.constant 0.159154937 : f32
    %mul3A_5 = vector.broadcast %mul3A : f32 to vector<2000x64xf32>
    %mul3A_6 = arith.mulf %add3A, %mul3A_5 : vector<2000x64xf32>
    %round3A = math.roundeven %mul3A_6 : vector<2000x64xf32>
    %mul3A_7 = arith.constant 6.28318548 : f32
    %mul3A_8 = vector.broadcast %mul3A_7 : f32 to vector<2000x64xf32>
    %mul3A_9 = arith.mulf %mul3A_8, %round3A : vector<2000x64xf32>
    %sub3A = arith.subf %add3A, %mul3A_9 : vector<2000x64xf32>
    %mul3A_10 = arith.mulf %sub3A, %sub3A : vector<2000x64xf32>
    %mul3A_11 = arith.constant 1.60590444E-10 : f32
    %mul3A_12 = vector.broadcast %mul3A_11 : f32 to vector<2000x64xf32>
    %mul3A_13 = arith.mulf %mul3A_10, %mul3A_12 : vector<2000x64xf32>
    %add3A_14 = arith.constant -2.50521079E-8 : f32
    %add3A_15 = vector.broadcast %add3A_14 : f32 to vector<2000x64xf32>
    %add3A_16 = arith.addf %add3A_15, %mul3A_13 : vector<2000x64xf32>
    %mul3A_17 = arith.mulf %mul3A_10, %add3A_16 : vector<2000x64xf32>
    %add3A_18 = arith.constant 2.75573188E-6 : f32
    %add3A_19 = vector.broadcast %add3A_18 : f32 to vector<2000x64xf32>
    %add3A_20 = arith.addf %add3A_19, %mul3A_17 : vector<2000x64xf32>
    %mul3A_21 = arith.mulf %mul3A_10, %add3A_20 : vector<2000x64xf32>
    %add3A_22 = arith.constant -1.98412701E-4 : f32
    %add3A_23 = vector.broadcast %add3A_22 : f32 to vector<2000x64xf32>
    %add3A_24 = arith.addf %add3A_23, %mul3A_21 : vector<2000x64xf32>
    %mul3A_25 = arith.mulf %mul3A_10, %add3A_24 : vector<2000x64xf32>
    %add3A_26 = arith.constant 0.00833333377 : f32
    %add3A_27 = vector.broadcast %add3A_26 : f32 to vector<2000x64xf32>
    %add3A_28 = arith.addf %add3A_27, %mul3A_25 : vector<2000x64xf32>
    %mul3A_29 = arith.mulf %mul3A_10, %add3A_28 : vector<2000x64xf32>
    %add3A_30 = arith.constant -0.166666672 : f32
    %add3A_31 = vector.broadcast %add3A_30 : f32 to vector<2000x64xf32>
    %add3A_32 = arith.addf %add3A_31, %mul3A_29 : vector<2000x64xf32>
    %mul3A_33 = arith.mulf %mul3A_10, %add3A_32 : vector<2000x64xf32>
    %add3A_34 = arith.constant 1.000000e+00 : f32
    %add3A_35 = vector.broadcast %add3A_34 : f32 to vector<2000x64xf32>
    %add3A_36 = arith.addf %add3A_35, %mul3A_33 : vector<2000x64xf32>
    %mul3A_37 = arith.mulf %sub3A, %add3A_36 : vector<2000x64xf32>
    %mul3A_38 = arith.constant -1.14707454E-11 : f32
    %mul3A_39 = vector.broadcast %mul3A_38 : f32 to vector<2000x64xf32>
    %mul3A_40 = arith.mulf %mul3A_10, %mul3A_39 : vector<2000x64xf32>
    %add3A_41 = arith.constant 2.08767559E-9 : f32
    %add3A_42 = vector.broadcast %add3A_41 : f32 to vector<2000x64xf32>
    %add3A_43 = arith.addf %add3A_42, %mul3A_40 : vector<2000x64xf32>
    %mul3A_44 = arith.mulf %mul3A_10, %add3A_43 : vector<2000x64xf32>
    %add3A_45 = arith.constant -2.755732E-7 : f32
    %add3A_46 = vector.broadcast %add3A_45 : f32 to vector<2000x64xf32>
    %add3A_47 = arith.addf %add3A_46, %mul3A_44 : vector<2000x64xf32>
    %mul3A_48 = arith.mulf %mul3A_10, %add3A_47 : vector<2000x64xf32>
    %add3A_49 = arith.constant 2.48015876E-5 : f32
    %add3A_50 = vector.broadcast %add3A_49 : f32 to vector<2000x64xf32>
    %add3A_51 = arith.addf %add3A_50, %mul3A_48 : vector<2000x64xf32>
    %mul3A_52 = arith.mulf %mul3A_10, %add3A_51 : vector<2000x64xf32>
    %add3A_53 = arith.constant -0.00138888892 : f32
    %add3A_54 = vector.broadcast %add3A_53 : f32 to vector<2000x64xf32>
    %add3A_55 = arith.addf %add3A_54, %mul3A_52 : vector<2000x64xf32>
    %mul3A_56 = arith.mulf %mul3A_10, %add3A_55 : vector<2000x64xf32>
    %add3A_57 = arith.constant 0.0416666679 : f32
    %add3A_58 = vector.broadcast %add3A_57 : f32 to vector<2000x64xf32>
    %add3A_59 = arith.addf %add3A_58, %mul3A_56 : vector<2000x64xf32>
    %mul3A_60 = arith.mulf %mul3A_10, %add3A_59 : vector<2000x64xf32>
    %add3A_61 = arith.constant -5.000000e-01 : f32
    %add3A_62 = vector.broadcast %add3A_61 : f32 to vector<2000x64xf32>
    %add3A_63 = arith.addf %add3A_62, %mul3A_60 : vector<2000x64xf32>
    %mul3A_64 = arith.mulf %mul3A_10, %add3A_63 : vector<2000x64xf32>
    %add3A_65 = arith.constant 1.000000e+00 : f32
    %add3A_66 = vector.broadcast %add3A_65 : f32 to vector<2000x64xf32>
    %add3A_67 = arith.addf %add3A_66, %mul3A_64 : vector<2000x64xf32>
    %get3A_68 = arith.constant 0 : index
    %get3A_69 = arith.constant 0 : index
    %get3A_70 = arith.constant 0 : index
    %get3A_71 = vector.load %arg3[%get3A_68, %get3A_69, %get3A_70] : memref<4x64x64xf32, #tpu.memory_space<vmem>>, vector<1x64x64xf32>
    %get3A_72 = vector.shape_cast %get3A_71 : vector<1x64x64xf32> to vector<64x64xf32>
    %dot_general3A = arith.constant dense<0.000000e+00> : vector<2000x64xf32>
    %dot_general3A_73 = tpu.matmul %add3A_67, %get3A_72, %dot_general3A {dimension_numbers = #tpu.dot_dimension_numbers<[1], [0], [0], [1], [0, 0, 1, 1], [], []>, transpose_lhs_hint = false} : vector<2000x64xf32>, vector<64x64xf32>, vector<2000x64xf32> -> vector<2000x64xf32>
    %get3A_74 = arith.constant 0 : index
    %get3A_75 = arith.constant 0 : index
    %get3A_76 = arith.constant 0 : index
    %get3A_77 = vector.load %arg4[%get3A_74, %get3A_75, %get3A_76] : memref<4x64x64xf32, #tpu.memory_space<vmem>>, vector<1x64x64xf32>
    %get3A_78 = vector.shape_cast %get3A_77 : vector<1x64x64xf32> to vector<64x64xf32>
    %dot_general3A_79 = arith.constant dense<0.000000e+00> : vector<2000x64xf32>
    %dot_general3A_80 = tpu.matmul %mul3A_37, %get3A_78, %dot_general3A_79 {dimension_numbers = #tpu.dot_dimension_numbers<[1], [0], [0], [1], [0, 0, 1, 1], [], []>, transpose_lhs_hint = false} : vector<2000x64xf32>, vector<64x64xf32>, vector<2000x64xf32> -> vector<2000x64xf32>
    %add3A_81 = arith.addf %dot_general3A_73, %dot_general3A_80 : vector<2000x64xf32>
    %mul3A_82 = arith.mulf %add3A_67, %add3A_67 : vector<2000x64xf32>
    %mul3A_83 = arith.mulf %mul3A_37, %mul3A_37 : vector<2000x64xf32>
    %sub3A_84 = arith.subf %mul3A_82, %mul3A_83 : vector<2000x64xf32>
    %mul3A_85 = arith.mulf %mul3A_37, %add3A_67 : vector<2000x64xf32>
    %mul3A_86 = arith.mulf %add3A_67, %mul3A_37 : vector<2000x64xf32>
    %add3A_87 = arith.addf %mul3A_85, %mul3A_86 : vector<2000x64xf32>
    %get3A_88 = arith.constant 1 : index
    %get3A_89 = arith.constant 0 : index
    %get3A_90 = arith.constant 0 : index
    %get3A_91 = vector.load %arg3[%get3A_88, %get3A_89, %get3A_90] : memref<4x64x64xf32, #tpu.memory_space<vmem>>, vector<1x64x64xf32>
    %get3A_92 = vector.shape_cast %get3A_91 : vector<1x64x64xf32> to vector<64x64xf32>
    %dot_general3A_93 = arith.constant dense<0.000000e+00> : vector<2000x64xf32>
    %dot_general3A_94 = tpu.matmul %sub3A_84, %get3A_92, %dot_general3A_93 {dimension_numbers = #tpu.dot_dimension_numbers<[1], [0], [0], [1], [0, 0, 1, 1], [], []>, transpose_lhs_hint = false} : vector<2000x64xf32>, vector<64x64xf32>, vector<2000x64xf32> -> vector<2000x64xf32>
    %add3A_95 = arith.addf %add3A_81, %dot_general3A_94 : vector<2000x64xf32>
    %get3A_96 = arith.constant 1 : index
    %get3A_97 = arith.constant 0 : index
    %get3A_98 = arith.constant 0 : index
    %get3A_99 = vector.load %arg4[%get3A_96, %get3A_97, %get3A_98] : memref<4x64x64xf32, #tpu.memory_space<vmem>>, vector<1x64x64xf32>
    %get3A_100 = vector.shape_cast %get3A_99 : vector<1x64x64xf32> to vector<64x64xf32>
    %dot_general3A_101 = arith.constant dense<0.000000e+00> : vector<2000x64xf32>
    %dot_general3A_102 = tpu.matmul %add3A_87, %get3A_100, %dot_general3A_101 {dimension_numbers = #tpu.dot_dimension_numbers<[1], [0], [0], [1], [0, 0, 1, 1], [], []>, transpose_lhs_hint = false} : vector<2000x64xf32>, vector<64x64xf32>, vector<2000x64xf32> -> vector<2000x64xf32>
    %add3A_103 = arith.addf %add3A_95, %dot_general3A_102 : vector<2000x64xf32>
    %mul3A_104 = arith.mulf %sub3A_84, %add3A_67 : vector<2000x64xf32>
    %mul3A_105 = arith.mulf %add3A_87, %mul3A_37 : vector<2000x64xf32>
    %sub3A_106 = arith.subf %mul3A_104, %mul3A_105 : vector<2000x64xf32>
    %mul3A_107 = arith.mulf %add3A_87, %add3A_67 : vector<2000x64xf32>
    %mul3A_108 = arith.mulf %sub3A_84, %mul3A_37 : vector<2000x64xf32>
    %add3A_109 = arith.addf %mul3A_107, %mul3A_108 : vector<2000x64xf32>
    %get3A_110 = arith.constant 2 : index
    %get3A_111 = arith.constant 0 : index
    %get3A_112 = arith.constant 0 : index
    %get3A_113 = vector.load %arg3[%get3A_110, %get3A_111, %get3A_112] : memref<4x64x64xf32, #tpu.memory_space<vmem>>, vector<1x64x64xf32>
    %get3A_114 = vector.shape_cast %get3A_113 : vector<1x64x64xf32> to vector<64x64xf32>
    %dot_general3A_115 = arith.constant dense<0.000000e+00> : vector<2000x64xf32>
    %dot_general3A_116 = tpu.matmul %sub3A_106, %get3A_114, %dot_general3A_115 {dimension_numbers = #tpu.dot_dimension_numbers<[1], [0], [0], [1], [0, 0, 1, 1], [], []>, transpose_lhs_hint = false} : vector<2000x64xf32>, vector<64x64xf32>, vector<2000x64xf32> -> vector<2000x64xf32>
    %add3A_117 = arith.addf %add3A_103, %dot_general3A_116 : vector<2000x64xf32>
    %get3A_118 = arith.constant 2 : index
    %get3A_119 = arith.constant 0 : index
    %get3A_120 = arith.constant 0 : index
    %get3A_121 = vector.load %arg4[%get3A_118, %get3A_119, %get3A_120] : memref<4x64x64xf32, #tpu.memory_space<vmem>>, vector<1x64x64xf32>
    %get3A_122 = vector.shape_cast %get3A_121 : vector<1x64x64xf32> to vector<64x64xf32>
    %dot_general3A_123 = arith.constant dense<0.000000e+00> : vector<2000x64xf32>
    %dot_general3A_124 = tpu.matmul %add3A_109, %get3A_122, %dot_general3A_123 {dimension_numbers = #tpu.dot_dimension_numbers<[1], [0], [0], [1], [0, 0, 1, 1], [], []>, transpose_lhs_hint = false} : vector<2000x64xf32>, vector<64x64xf32>, vector<2000x64xf32> -> vector<2000x64xf32>
    %add3A_125 = arith.addf %add3A_117, %dot_general3A_124 : vector<2000x64xf32>
    %mul3A_126 = arith.mulf %sub3A_106, %add3A_67 : vector<2000x64xf32>
    %mul3A_127 = arith.mulf %add3A_109, %mul3A_37 : vector<2000x64xf32>
    %sub3A_128 = arith.subf %mul3A_126, %mul3A_127 : vector<2000x64xf32>
    %mul3A_129 = arith.mulf %add3A_109, %add3A_67 : vector<2000x64xf32>
    %mul3A_130 = arith.mulf %sub3A_106, %mul3A_37 : vector<2000x64xf32>
    %add3A_131 = arith.addf %mul3A_129, %mul3A_130 : vector<2000x64xf32>
    %get3A_132 = arith.constant 3 : index
    %get3A_133 = arith.constant 0 : index
    %get3A_134 = arith.constant 0 : index
    %get3A_135 = vector.load %arg3[%get3A_132, %get3A_133, %get3A_134] : memref<4x64x64xf32, #tpu.memory_space<vmem>>, vector<1x64x64xf32>
    %get3A_136 = vector.shape_cast %get3A_135 : vector<1x64x64xf32> to vector<64x64xf32>
    %dot_general3A_137 = arith.constant dense<0.000000e+00> : vector<2000x64xf32>
    %dot_general3A_138 = tpu.matmul %sub3A_128, %get3A_136, %dot_general3A_137 {dimension_numbers = #tpu.dot_dimension_numbers<[1], [0], [0], [1], [0, 0, 1, 1], [], []>, transpose_lhs_hint = false} : vector<2000x64xf32>, vector<64x64xf32>, vector<2000x64xf32> -> vector<2000x64xf32>
    %add3A_139 = arith.addf %add3A_125, %dot_general3A_138 : vector<2000x64xf32>
    %get3A_140 = arith.constant 3 : index
    %get3A_141 = arith.constant 0 : index
    %get3A_142 = arith.constant 0 : index
    %get3A_143 = vector.load %arg4[%get3A_140, %get3A_141, %get3A_142] : memref<4x64x64xf32, #tpu.memory_space<vmem>>, vector<1x64x64xf32>
    %get3A_144 = vector.shape_cast %get3A_143 : vector<1x64x64xf32> to vector<64x64xf32>
    %dot_general3A_145 = arith.constant dense<0.000000e+00> : vector<2000x64xf32>
    %dot_general3A_146 = tpu.matmul %add3A_131, %get3A_144, %dot_general3A_145 {dimension_numbers = #tpu.dot_dimension_numbers<[1], [0], [0], [1], [0, 0, 1, 1], [], []>, transpose_lhs_hint = false} : vector<2000x64xf32>, vector<64x64xf32>, vector<2000x64xf32> -> vector<2000x64xf32>
    %add3A_147 = arith.addf %add3A_139, %dot_general3A_146 : vector<2000x64xf32>
    %get3A_148 = arith.constant 0 : index
    %get3A_149 = arith.constant 0 : index
    %get3A_150 = vector.load %arg5[%get3A_148, %get3A_149] : memref<64x64xf32, #tpu.memory_space<vmem>>, vector<64x64xf32>
    %dot_general3A_151 = arith.constant dense<0.000000e+00> : vector<2000x64xf32>
    %dot_general3A_152 = tpu.matmul %add3A_147, %get3A_150, %dot_general3A_151 {dimension_numbers = #tpu.dot_dimension_numbers<[1], [1], [0], [0], [0, 0, 1, 0], [], []>, transpose_lhs_hint = false} : vector<2000x64xf32>, vector<64x64xf32>, vector<2000x64xf32> -> vector<2000x64xf32>
    %reduce_max3A = arith.constant dense<0xFF800000> : vector<2000xf32>
    %reduce_max3A_153 = vector.multi_reduction <maximumf>, %dot_general3A_152, %reduce_max3A [1] : vector<2000x64xf32> to vector<2000xf32>
    %broadcast_in_dim3A = vector.shape_cast %reduce_max3A_153 : vector<2000xf32> to vector<2000x1xf32>
    %sub3A_154 = vector.broadcast %broadcast_in_dim3A : vector<2000x1xf32> to vector<2000x64xf32>
    %sub3A_155 = arith.subf %dot_general3A_152, %sub3A_154 : vector<2000x64xf32>
    %exp3A = math.exp %sub3A_155 : vector<2000x64xf32>
    %sub3A_156 = vector.broadcast %broadcast_in_dim3A : vector<2000x1xf32> to vector<2000x64xf32>
    %sub3A_157 = arith.subf %dot_general3A_152, %sub3A_156 : vector<2000x64xf32>
    %reduce_sum3A = arith.constant dense<0.000000e+00> : vector<2000xf32>
    %reduce_sum3A_158 = vector.multi_reduction <add>, %exp3A, %reduce_sum3A [1] : vector<2000x64xf32> to vector<2000xf32>
    %broadcast_in_dim3A_159 = vector.shape_cast %reduce_sum3A_158 : vector<2000xf32> to vector<2000x1xf32>
    %log3A = math.log %broadcast_in_dim3A_159 : vector<2000x1xf32>
    %sub3A_160 = vector.broadcast %log3A : vector<2000x1xf32> to vector<2000x64xf32>
    %sub3A_161 = arith.subf %sub3A_157, %sub3A_160 : vector<2000x64xf32>
    %swap3A = arith.constant 0 : index
    %swap3A_162 = arith.constant 0 : index
    %swap3A_163 = vector.load %arg6[%swap3A, %swap3A_162] : memref<2000x64xf32, #tpu.memory_space<vmem>>, vector<2000x64xf32>
    tpu.vector_store %arg6[%swap3A, %swap3A_162], %sub3A_161 {strides = array<i32>} : memref<2000x64xf32, #tpu.memory_space<vmem>>, vector<2000x64xf32>,
    return
  }
  func.func @transform_0(%arg0: i32) -> (i32, i32) {
    %c0_i32 = arith.constant 0 : i32
    %c0_i32_0 = arith.constant 0 : i32
    return %arg0, %c0_i32 : i32, i32
  }
  func.func @transform_1(%arg0: i32) -> (i32, i32) {
    %add3A = arith.constant 5 : i32
    %add3A_0 = arith.addi %add3A, %arg0 : i32
    %c0_i32 = arith.constant 0 : i32
    %c0_i32_1 = arith.constant 0 : i32
    return %add3A_0, %c0_i32 : i32, i32
  }
  func.func @transform_2(%arg0: i32) -> (i32, i32, i32) {
    %c0_i32 = arith.constant 0 : i32
    %c0_i32_0 = arith.constant 0 : i32
    %c0_i32_1 = arith.constant 0 : i32
    %c0_i32_2 = arith.constant 0 : i32
    return %c0_i32, %c0_i32_0, %c0_i32_1 : i32, i32, i32
  }
  func.func @transform_3(%arg0: i32) -> (i32, i32, i32) {
    %c0_i32 = arith.constant 0 : i32
    %c0_i32_0 = arith.constant 0 : i32
    %c0_i32_1 = arith.constant 0 : i32
    %c0_i32_2 = arith.constant 0 : i32
    return %c0_i32, %c0_i32_0, %c0_i32_1 : i32, i32, i32
  }
  func.func @transform_4(%arg0: i32) -> (i32, i32) {
    %c0_i32 = arith.constant 0 : i32
    %c0_i32_0 = arith.constant 0 : i32
    %c0_i32_1 = arith.constant 0 : i32
    return %c0_i32, %c0_i32_0 : i32, i32
  }
  func.func @transform_5(%arg0: i32) -> (i32, i32) {
    %c0_i32 = arith.constant 0 : i32
    %c0_i32_0 = arith.constant 0 : i32
    return %arg0, %c0_i32 : i32, i32
  }
}

</mosaic_0001>

<sc_bundles>
// kernel: kernel.5.cloned.1.call-start
scs
__scs_entry_jumppad:
0x0: {  	(pc) =	sbr.rel $0x88, $3  }
0x1: {  	(tag) =	ssettag $0x0;
	lr =	simm.s32 $0x1  }
0x2: {  	[smem:$0x3F9B] =	sst lr;
	_ =	strace $0xD0000000  }
0x3: {  	_ = 	snop  }
0x4: {  	_ = 	snop  }
0x5: {  	_ = 	snop  }
0x6: {  	_ = 	snop  }
0x7: {  	_ = 	snop  }
__scs_overlays_trampoline_lowered:
0x8: {  	[smem:$0x3FAA] =	sst s0  }
0x9: {  	[smem:$0x3FAB] =	sst s1  }
0xa: {  	[smem:$0x3FAC] =	sst s2  }
0xb: {  	[smem:$0x3FAD] =	sst s3  }
0xc: {  	[smem:$0x3FAE] =	sst s4  }
0xd: {  	[smem:$0x3FAF] =	sst s5  }
0xe: {  	[smem:$0x3FB0] =	sst s6  }
0xf: {  	[smem:$0x3FB1] =	sst s7  }
0x10: {  	[smem:$0x3FB2] =	sst s8  }
0x11: {  	[smem:$0x3FB3] =	sst s9;
	s0 =	simm.s32 @!p0 $0x0  }
0x12: {  	s1 =	sld [smem:$0x3F99];
	s0 =	simm.s32 @p0 $0x1  }
0x13: {  	[smem:$0x3FB4] =	sst s0;
	s0 =	simm.s32 @!p1 $0x0  }
0x14: {  	s2 =	sld [smem:$0x3F98];
	s0 =	simm.s32 @p1 $0x1  }
0x15: {  	[smem:$0x3FB5] =	sst s0;
	s0 =	simm.s32 @!p2 $0x0  }
0x16: {  	s3 =	sld [smem:$0x3FDB];
	s0 =	simm.s32 @p2 $0x1  }
0x17: {  	s4 =	simm.s32 $0x1BF5;
	[smem:$0x3FB7] =	sst s0  }
0x18: {  	s0 =	sld [smem:$0x3F9A];
	_ =	swait.ge [sflag:s4], $0x0  }
0x19: {  	s7 =	sld [smem:$0x3F9B]  }
0x1a: {  	s8 =	sadd.s32 $0xFFFFE003, lr  }
0x1b: {  	s9 =	sadd.s32 $0xFFFFFEF7, lr;
	s5 =	simm.s32 $0xFFFFFFFF;
	p2 =	slt.u32 s8, $0xFFFFF086  }
0x1c: {  	p1 =	slt.u32 s9, $0xF7A;
	s5 =	simm.s32 @!p2 $0x0  }
0x1d: {  	s5 =	simm.s32 @p1 $0x1;
	p0 =	seq.s32 s7, s2  }
0x1e: {  	s7 =	smul.u32 @!p0 $0xF7A, s2;
	p2 =	seq.s32 @!p0 s5, $0x0  }
0x1f: {  	s9 =	smul.u32 $0xF7A, s1;
	s8 =	simm.s32 @!p0 $0x1BF5;
	p2 =	por !p2, p0  }
0x20: {  	[sflag:s8] =	ssyncset.s32 @!p0 $0xFFFFF086;
	s6 =	sadd.s32 @!p0 s3, s7;
	s7 =	simm.s32 @!p0 $0x108  }
0x21: {  	s3 =	sadd.s32 s3, s9;
	s6 =	sadd.s32 @!p0 $0x88, s6;
	s7 =	simm.s32 @p2 $0x1082  }
0x22: {  	[simem:s7], [sflag:s8] =	dma.local @!p0 [hbm:s6], $0xF7A  }
0x23: {  	s9 =	sor.u32 $0xD0000000, s2;
	s6 =	simm.s32 $0x108;
	_ =	swait.ge @!p0 [sflag:s8], $0x0  }
0x24: {  	s3 =	sadd.s32 $0x88, s3;
	s6 =	simm.s32 @!p1 $0x1082;
	[sflag:s4] =	ssyncset.s32 $0xFFFFF086  }
0x25: {  	[simem:s6], [sflag:s4] =	dma.local [hbm:s3], $0xF7A  }
0x26: {  	[smem:$0x3F9B] =	sst s1;
	(tag) =	ssettag s2;
	_ =	strace s9  }
0x27: {  	s1 =	sld [smem:$0x3FAB]  }
0x28: {  	s2 =	sld [smem:$0x3FAC]  }
0x29: {  	s4 =	sld [smem:$0x3FAE]  }
0x2a: {  	p0 =	seq.s32 s5, $0x0;
	s5 =	sld [smem:$0x3FAF]  }
0x2b: {  	s6 =	sld [smem:$0x3FB0]  }
0x2c: {  	s7 =	sld [smem:$0x3FB1]  }
0x2d: {  	s3 =	simm.s32 $0x108;
	s8 =	sld [smem:$0x3FB2]  }
0x2e: {  	s3 =	simm.s32 @!p0 $0x1082;
	s9 =	sld [smem:$0x3FB3]  }
0x2f: {  	lr =	sadd.s32 s0, s3;
	s0 =	sld [smem:$0x3FAA]  }
0x30: {  	s3 =	sld [smem:$0x3FAD]  }
0x31: {  	[smem:$0x3FB6] =	sst s10  }
0x32: {  	s10 =	sld [smem:$0x3FB4];
	_ =	sdelay $0x3  }
0x33: {  	p0 =	seq.s32 s10, $0x1;
	s10 =	sld [smem:$0x3FB6];
	_ =	sdelay $0x3  }
0x34: {  	[smem:$0x3FB6] =	sst s10  }
0x35: {  	s10 =	sld [smem:$0x3FB5];
	_ =	sdelay $0x3  }
0x36: {  	p1 =	seq.s32 s10, $0x1;
	s10 =	sld [smem:$0x3FB6];
	_ =	sdelay $0x3  }
0x37: {  	[smem:$0x3FB6] =	sst s10  }
0x38: {  	s10 =	sld [smem:$0x3FB7]  }
0x39: {  	_ = 	snop;
	(pc) =	sbr.ind lr, $3  }
0x3a: {  	_ = 	snop  }
0x3b: {  	_ = 	snop  }
0x3c: {  	p2 =	seq.s32 s10, $0x1;
	s10 =	sld [smem:$0x3FB6]  }
0x3d: {  	_ =	shalt  }
0x3e: {  	_ =	shalt  }
0x3f: {  	_ =	shalt  }
0x40: {  	_ =	shalt  }
0x41: {  	_ =	shalt  }
0x42: {  	_ =	shalt  }
0x43: {  	_ =	shalt  }
0x44: {  	_ =	shalt  }
0x45: {  	_ =	shalt  }
0x46: {  	_ =	shalt  }
0x47: {  	_ =	shalt  }
0x48: {  	_ =	shalt  }
0x49: {  	_ =	shalt  }
0x4a: {  	_ =	shalt  }
0x4b: {  	_ =	shalt  }
0x4c: {  	_ =	shalt  }
0x4d: {  	_ =	shalt  }
0x4e: {  	_ =	shalt  }
0x4f: {  	_ =	shalt  }
0x50: {  	_ =	shalt  }
0x51: {  	_ =	shalt  }
0x52: {  	_ =	shalt  }
0x53: {  	_ =	shalt  }
0x54: {  	_ =	shalt  }
0x55: {  	_ =	shalt  }
0x56: {  	_ =	shalt  }
0x57: {  	_ =	shalt  }
0x58: {  	_ =	shalt  }
0x59: {  	_ =	shalt  }
0x5a: {  	_ =	shalt  }
0x5b: {  	_ =	shalt  }
0x5c: {  	_ =	shalt  }
0x5d: {  	_ =	shalt  }
0x5e: {  	_ =	shalt  }
0x5f: {  	_ =	shalt  }
0x60: {  	_ =	shalt  }
0x61: {  	_ =	shalt  }
0x62: {  	_ =	shalt  }
0x63: {  	_ =	shalt  }
0x64: {  	_ =	shalt  }
0x65: {  	_ =	shalt  }
0x66: {  	_ =	shalt  }
0x67: {  	_ =	shalt  }
0x68: {  	_ =	shalt  }
0x69: {  	_ =	shalt  }
0x6a: {  	_ =	shalt  }
0x6b: {  	_ =	shalt  }
0x6c: {  	_ =	shalt  }
0x6d: {  	_ =	shalt  }
0x6e: {  	_ =	shalt  }
0x6f: {  	_ =	shalt  }
0x70: {  	_ =	shalt  }
0x71: {  	_ =	shalt  }
0x72: {  	_ =	shalt  }
0x73: {  	_ =	shalt  }
0x74: {  	_ =	shalt  }
0x75: {  	_ =	shalt  }
0x76: {  	_ =	shalt  }
0x77: {  	_ =	shalt  }
0x78: {  	_ =	shalt  }
0x79: {  	_ =	shalt  }
0x7a: {  	_ =	shalt  }
0x7b: {  	_ =	shalt  }
0x7c: {  	_ =	shalt  }
0x7d: {  	_ =	shalt  }
0x7e: {  	_ =	shalt  }
0x7f: {  	_ =	shalt  }
0x80: {  	_ =	shalt  }
0x81: {  	_ =	shalt  }
0x82: {  	_ =	shalt  }
0x83: {  	_ =	shalt  }
0x84: {  	_ =	shalt  }
0x85: {  	_ =	shalt  }
0x86: {  	_ =	shalt  }
0x87: {  	_ =	shalt  }
.Lfunc_end0:
.L_simem_size_0:
called_computation_lowered:
.L_overlay_start_0:
0x88: {  	s2 =	sld [smem:$0x3FD9]  }
0x89: {  	s3 =	sld [smem:$0x3FFE];
	_ =	sdelay $0x1  }
0x8a: {  	s1 =	srdreg.scid  }
0x8b: {  	s0 =	sand.u32 $0x1, s1  }
0x8c: {  	s17 =	sshll.u32 s0, $0xA;
	s2 =	sadd.s32 s3, s2  }
0x8d: {  	s2 =	sadd.s32 s2, s17  }
0x8e: {  	[smem:$0x3FC2] =	sst s2  }
0x8f: {  	_ = 	snop  }
0x90: {  	s2 =	sld [smem:$0x3FD0];
	(tm) =	ssettm $0x1  }
0x91: {  	s18 =	sld [smem:$0x3FFB];
	_ =	sdelay $0x3  }
0x92: {  	_ =	strace s18  }
0x93: {  	s3 =	sld [smem:$0x3FFC];
	_ =	sdelay $0x3  }
0x94: {  	_ =	strace s3  }
0x95: {  	s3 =	sld [smem:$0x3FFD];
	_ =	sdelay $0x3  }
0x96: {  	_ =	strace s3  }
0x97: {  	_ =	strace $0x8FFFFFFF  }
0x98: {  	s19 =	sld [smem:$0x3FDB];
	_ =	sdelay $0x1  }
0x99: {  	s4 =	simm.s32 $_scs_section_size  }
0x9a: {  	s5 =	simm.s32 $_size__tile_overlayer_lowered;
	s6 =	simm.s32 $_tile_overlayer_lowered  }
0x9b: {  	s22 =	simm.s32 $0x1BFF;
	s21 =	sshll.u32 s6, $0x1;
	s3 =	sadd.s32 s4, s19  }
0x9c: {  	s7 =	simm.s32 $0x0;
	s20 =	sshll.u32 s5, $0x1;
	s5 =	sadd.s32 s21, s3  }
0x9d: {  	[timem:s7], [sflag:s22] =	dma.local [hbm:s5], s20  }
0x9e: {  	_ =	swait.ge [sflag:s22], s20  }
0x9f: {  	s4 =	ssub.s32 $0x0, s20;
	[sflag:s22] =	ssyncset.done $0x0  }
0xa0: {  	[sflag:s22] =	ssyncadd.s32 s4;
	_ =	sdelay $0x1  }
0xa1: {  	s23 =	simm.s32 $0x1B8B  }
0xa2: {  	_ =	swait.ge [sflag:s23], $0x1  }
0xa3: {  	[sflag:s23] =	ssyncset.done $0x0  }
0xa4: {  	s25 =	simm.s32 $0x1B8E;
	s24 =	sld [smem:$0x3FFE];
	[sflag:s23] =	ssyncadd.s32 $0xFFFFFFFF  }
0xa5: {  	s26 =	simm.s32 $execute0_lowered;
	[smem:$0x3FD2] =	sst s25  }
0xa6: {  	s5 =	sshll.u32 s26, $0x1;
	_ =	strace $0x80000046;
	[dreg:$0x1] =	wrdreg $0xFFFFFFFF  }
0xa7: {  	s28 =	simm.s32 $_size_execute0_lowered;
	s3 =	sadd.s32 s3, s5;
	[dreg:$0x0] =	wrdreg $0x0  }
0xa8: {  	s5 =	sshll.u32 s28, $0x1;
	[dreg:$0x2] =	wrdreg s3  }
0xa9: {  	[dreg:$0x3] =	wrdreg s5  }
0xaa: {  	[dreg:$0x4] =	wrdreg $0xC0  }
0xab: {  	_ =	task [dreg:s7], $0x5FFFF  }
0xac: {  	[dreg:$0x1] =	wrdreg $0xFFFFFFFF  }
0xad: {  	[dreg:$0x0] =	wrdreg $0x60  }
0xae: {  	[dreg:$0x2] =	wrdreg s24  }
0xaf: {  	[dreg:$0x3] =	wrdreg s2  }
0xb0: {  	[dreg:$0x4] =	wrdreg $0x150000  }
0xb1: {  	[dreg:$0x5] =	wrdreg $0x9  }
0xb2: {  	_ =	task.clear_ibuf [dreg:s7], $0x6FFFF;
	_ =	strace $0x90000046  }
0xb3: {  	s29 =	simm.s32 $0x9;
	_ =	strace $0x80000048  }
0xb4: {  	_ =	swait.ge [sflag:s29], $0x1  }
0xb5: {  	[sflag:s29] =	ssyncadd.s32 $0xFFFFFFFF  }
0xb6: {  	_ =	strace $0x90000048  }
0xb7: {  	_ =	sfence  }
0xb8: {  	s30 =	sld [smem:$0x0];
	_ =	sdelay $0x2  }
0xb9: {  	s31 =	sshll.u32 s1, $0xD;
	s1 =	sshrl.u32 s1, $0x2  }
0xba: {  	s3 =	sand.u32 $0x4000, s31;
	s1 =	sadd.s32 s1, s30  }
0xbb: {  	s0 =	sor.u32 s3, s0;
	s1 =	sshll.u32 s1, $0x11  }
0xbc: {  	s0 =	sor.u32 s1, s0  }
0xbd: {  	s0 =	sadd.s32 $0x8F2B, s0  }
0xbe: {  	[sflag:s0] =	ssyncadd.remote.s32 $0x1  }
0xbf: {  	_ =	sfence.sel $0xFFFF  }
0xc0: {  	[dreg:$0x0] =	wrdreg $0xFFFFFFFF;
	(pc) =	sbr.abs _section_cstart, $3  }
0xc1: {  	[dreg:$0x1] =	wrdreg $0xFFFFFFFF  }
0xc2: {  	_ =	task.clear_ibuf [dreg:s7], $0x2FFFF;
	_ =	strace $0x9FFFFFFF  }
0xc3: {  	(tm) =	ssettm $0x7FFFFFFF  }
tec
execute0_lowered:
.L_overlay_start_1:
0x0: {  	(tag) =	ssettag $0x1  }
0x1: {  	s0 =	rddreg [dreg:$0x0]  }
0x2: {  	s3 =	rddreg [dreg:$0x1]  }
0x3: {  	s2 =	rddreg [dreg:$0x2]  }
0x4: {  	s26 =	rddreg [dreg:$0x3];
	s24 =	simm.s32 $0x0  }
0x5: {  	[smem:$0x7FF] =	sst s24;
	s7 =	sadd.s32 $0x15800, s0  }
0x6: {  	s11 =	sadd.s32 $0x1A00, s0;
	_ =	strace $0x80000047;
	[dreg:$0x4] =	wrdreg s7  }
0x7: {  	s15 =	simm.s32 $0x2A00;
	[dreg:$0x5] =	wrdreg s11  }
0x8: {  	s16 =	simm.s32 $0x400;
	[dreg:$0xb] =	wrdreg s15  }
0x9: {  	s17 =	simm.s32 $0x600;
	[dreg:$0xc] =	wrdreg s16  }
0xa: {  	s18 =	simm.s32 $0x2C00;
	[dreg:$0xd] =	wrdreg s17  }
0xb: {  	s19 =	simm.s32 $0x2E00;
	[dreg:$0xe] =	wrdreg s18  }
0xc: {  	s20 =	simm.s32 $0x800;
	[dreg:$0xf] =	wrdreg s19  }
0xd: {  	s21 =	simm.s32 $0xA00;
	[dreg:$0x10] =	wrdreg s20  }
0xe: {  	s1 =	srdreg.scid;
	s22 =	simm.s32 $0x3000;
	[dreg:$0x11] =	wrdreg s21  }
0xf: {  	s28 =	stileid.u32;
	s23 =	simm.s32 $0x3200;
	[dreg:$0x12] =	wrdreg s22  }
0x10: {  	s25 =	simm.s32 $0xC00;
	s30 =	simm.s32 $0xE00;
	[dreg:$0x13] =	wrdreg s23  }
0x11: {  	s29 =	simm.s32 $0x2000;
	p1 =	por $0x0, $0x0;
	[dreg:$0x14] =	wrdreg s25  }
0x12: {  	s1 =	sand.u32 $0x1, s1;
	[dreg:$0x15] =	wrdreg s30;
	s11 =	simm.s32 $0x3800  }
0x13: {  	s6 =	sadd.s32 $0x1C00, s0;
	s15 =	simm.s32 $0x1600;
	[dreg:$0x1a] =	wrdreg s11  }
0x14: {  	s9 =	sadd.s32 $0xBA00, s0;
	s16 =	simm.s32 $0x3C00;
	[dreg:$0x1d] =	wrdreg s15  }
0x15: {  	s12 =	smul.u32 $0x2710, s28;
	s17 =	simm.s32 $0x3E00;
	[dreg:$0x1e] =	wrdreg s16  }
0x16: {  	s4 =	sshll.u32 s1, $0x4;
	s18 =	simm.s32 $0x1800;
	[dreg:$0x1f] =	wrdreg s17  }
0x17: {  	s13 =	smul.u32 $0x27100, s1;
	s19 =	simm.s32 $0x1A00;
	[smem:$0x7F6] =	sst s18  }
0x18: {  	s1 =	ssub.s32 $0x2, s1;
	s20 =	simm.s32 $0x4000;
	[smem:$0x7F7] =	sst s19  }
0x19: {  	s25 =	simm.s32 $0x2800;
	s21 =	simm.s32 $0x4200;
	[smem:$0x7F8] =	sst s20  }
0x1a: {  	s22 =	simm.s32 $0x1C00;
	s23 =	simm.s32 $0x1E00;
	[smem:$0x7F9] =	sst s21  }
0x1b: {  	s30 =	simm.s32 $0x4400;
	s4 =	sor.u32 s28, s4;
	[smem:$0x7FA] =	sst s22  }
0x1c: {  	s31 =	sshrl.u32 s1, $0x1;
	s11 =	simm.s32 $0x5000;
	[smem:$0x7FB] =	sst s23  }
0x1d: {  	[smem:$0x7FC] =	sst s30;
	s23 =	simm.s32 $0x2200;
	s22 =	simm.s32 $0x4800  }
0x1e: {  	s21 =	simm.s32 $0x4A00;
	s20 =	simm.s32 $0x2400;
	s19 =	simm.s32 $0x4C00  }
0x1f: {  	s18 =	simm.s32 $0x4E00;
	s16 =	simm.s32 $0x10;
	s17 =	simm.s32 $0x8  }
0x20: {  	s15 =	rddreg [dreg:$0x4];
	s5 =	smul.u32 $0x13, s4;
	s8 =	smin.u32 s4, $0x11  }
0x21: {  	s7 =	sadd.s32 s12, s13;
	p0 =	sgt.u32 s4, $0x10;
	s1 =	ssub.s32 s1, s31  }
0x22: {  	s12 =	sshll.u32 s28, $0x6;
	s13 =	simm.s32 $0x3A00;
	s31 =	simm.s32 $0x4600  }
0x23: {  	s4 =	sor.u32 $0x1C05, s12;
	[dreg:$0x1b] =	wrdreg s13;
	s1 =	smax.u32 s1, $0x1  }
0x24: {  	s12 =	simm.s32 $0x3;
	s13 =	simm.s32 $0x4;
	[smem:$0x7FD] =	sst s31  }
0x25: {  	s5 =	sadd.s32 s8, s5;
	s8 =	sadd.s32 $0x16C00, s0;
	s0 =	sadd.s32 s7, s0  }
0x26: {  	s7 =	simm.s32 $0x3600;
	s1 =	sadd.s32 $0xFFFFFFFF, s1;
	s5 =	sshll.u32 s5, $0x6  }
0x27: {  	s0 =	sadd.s32 $0x16E00, s0;
	[dreg:$0x17] =	wrdreg s7;
	s7 =	simm.s32 $0x200  }
0x28: {  	p2 =	sne.s32 s1, $0x0;
	s10 =	sadd.s32 s6, s5;
	[dreg:$0x9] =	wrdreg s0  }
0x29: {  	s14 =	sadd.s32 s9, s5;
	s5 =	sadd.s32 $0x4C0, s5;
	[dreg:$0x6] =	wrdreg s10  }
0x2a: {  	[dreg:$0x7] =	wrdreg s14;
	s6 =	sadd.s32 s6, s5;
	s5 =	sadd.s32 s9, s5  }
0x2b: {  	s10 =	simm.s32 $0x1200;
	s14 =	simm.s32 $0x1400;
	[dreg:$0x8] =	wrdreg s6  }
0x2c: {  	s5 =	smov.u32 @p0 s8;
	s6 =	smul.u32 $0x27100, s28;
	[dreg:$0x19] =	wrdreg s10  }
.Ltmp0:
0x2d: {  	s8 =	simm.s32 $0x1000;
	[dreg:$0x1c] =	wrdreg s14;
	(pc) =	sbr.rel @!p2 .LBB2_5-.Ltmp0, $4  }
0x2e: {  	s10 =	simm.s32 $0xD000;
	s14 =	simm.s32 $0x2;
	[dreg:$0xa] =	wrdreg s5  }
0x2f: {  	s5 =	simm.s32 $0x3400;
	[dreg:$0x18] =	wrdreg s8;
	s9 =	sshrl.u32 s6, $0x2  }
0x30: {  	s8 =	simm.s32 $0x1;
	[dreg:$0x16] =	wrdreg s5;
	s5 =	sadd.s32 s9, s2  }
0x31: {  	s6 =	simm.s32 $0x5;
	s9 =	simm.s32 $0x2600;
	s5 =	sshrl.u32 s5, $0x3  }
0x32: {  	[spmem:s5], [sflag:s4] =	dma.local [hbm:s15], $0x1388  }
0x33: {  	_ =	swait.ge [sflag:s6], $0x1388  }
0x34: {  	[sflag:s6] =	ssyncset.done $0x0  }
0x35: {  	s0 =	rddreg [dreg:$0x6];
	[sflag:s6] =	ssyncadd.s32 $0xFFFFEC78  }
0x36: {  	[tilespmem:s25], [sflag:$0x5] =	stream.linear.gather [hbm4b:s0+s24], $0x2600, $0x38;
	[tilespmem:$0x1F440] =	vst v63  }
0x37: {  	_ =	swait.ge [sflag:s6], $0x2600  }
0x38: {  	[sflag:s6] =	ssyncset.done $0x0  }
0x39: {  	s15 =	rddreg [dreg:$0x7];
	[sflag:s6] =	ssyncadd.s32 $0xFFFFDA00  }
0x3a: {  	[tilespmem:s24], [sflag:$0x5] =	stream.linear.gather [hbm4b:s15+s24], $0x2600, $0x38;
	[tilespmem:$0x1F440] =	vst v63  }
0x3b: {  	_ =	swait.ge [sflag:s6], $0x2600  }
0x3c: {  	s26 =	simm.s32 @p0 $0x5;
	s17 =	simm.s32 @p0 $0x4E00;
	[sflag:s6] =	ssyncset.done $0x0  }
0x3d: {  	s15 =	simm.s32 @p0 $0x0;
	s0 =	rddreg [dreg:$0x5];
	[sflag:s6] =	ssyncadd.s32 $0xFFFFDA00  }
0x3e: {  	[tilespmem:s17], [sflag:$0x5] =	stream.linear.gather @p0 [hbm4b:s0+s15], $0x200, $0x38;
	[tilespmem:$0x1F440] =	vst v63  }
0x3f: {  	_ =	swait.ge @p0 [sflag:s26], $0x200  }
0x40: {  	s30 =	simm.s32 @!p0 $0x5;
	s16 =	simm.s32 @!p0 $0x0;
	[sflag:s26] =	ssyncset.done @p0 $0x0  }
0x41: {  	s17 =	simm.s32 @!p0 $0x4E00;
	s15 =	rddreg [dreg:$0x8];
	[sflag:s26] =	ssyncadd.s32 @p0 $0xFFFFFE00  }
0x42: {  	[tilespmem:s17], [sflag:$0x5] =	stream.linear.gather @!p0 [hbm4b:s15+s16], $0x200, $0x38;
	[tilespmem:$0x1F440] =	vst v63  }
0x43: {  	_ =	swait.ge @!p0 [sflag:s30], $0x200  }
0x44: {  	[sflag:s30] =	ssyncset.done @!p0 $0x0  }
0x45: {  	s16 =	rddreg [dreg:$0xa];
	[sflag:s30] =	ssyncadd.s32 @!p0 $0xFFFFFE00  }
0x46: {  	[tilespmem:s9], [sflag:$0x5] =	stream.linear.gather [hbm4b:s16+s24], $0x200, $0x38;
	[tilespmem:$0x1F440] =	vst v63  }
0x47: {  	_ =	swait.ge [sflag:s6], $0x200  }
0x48: {  	[sflag:s6] =	ssyncset.done $0x0  }
0x49: {  	[sflag:s6] =	ssyncadd.s32 $0xFFFFFE00  }
0x4a: {  	[bflag:$0x0] =	sbarrier.arrive $0xFFFF  }
0x4b: {  	[tilespmem:s11], [sflag:$0x1] =	stream.indirect.gather [hbm4b:s3+s7], $0x40, s24, s7, $0xb8;
	[tilespmem:$0x1F440] =	vst v63  }
0x4c: {  	_ = 	snop  }
0x4d: {  	[tilespmem:s10], [sflag:$0x2] =	stream.indirect.gather [hbm4b:s3+s7], $0x40, s7, s7, $0xb8;
	[tilespmem:$0x1F440] =	vst v63  }
0x4e: {  	_ =	swait.ge [sflag:s8], $0x8000  }
0x4f: {  	[sflag:s8] =	ssyncset.done $0x0  }
0x50: {  	[sflag:s8] =	ssyncadd.s32 $0xFFFF8000  }
0x51: {  	[spmem:s2] =	stream.indirect.scatter.add.f32 [tilespmem:s11], [sflag:$0x3], $0x40, s25, s7, $0xb8;
	[tilespmem:$0x1F440] =	vst v63  }
0x52: {  	_ =	swait.ge [sflag:s14], $0x8000  }
0x53: {  	[sflag:s14] =	ssyncset.done $0x0  }
0x54: {  	s17 =	rddreg [dreg:$0xb];
	[sflag:s14] =	ssyncadd.s32 $0xFFFF8000  }
0x55: {  	[spmem:s2] =	stream.indirect.scatter.add.f32 [tilespmem:s10], [sflag:$0x4], $0x40, s17, s7, $0xb8;
	[tilespmem:$0x1F440] =	vst v63  }
0x56: {  	_ =	swait.ge [sflag:s12], $0x8000  }
0x57: {  	[sflag:s12] =	ssyncset.done $0x0  }
0x58: {  	s16 =	rddreg [dreg:$0xc];
	[sflag:s12] =	ssyncadd.s32 $0xFFFF8000  }
0x59: {  	[tilespmem:s11], [sflag:$0x1] =	stream.indirect.gather [hbm4b:s3+s7], $0x40, s16, s7, $0xb8;
	[tilespmem:$0x1F440] =	vst v63  }
0x5a: {  	_ =	swait.ge [sflag:s13], $0x8000  }
0x5b: {  	[sflag:s13] =	ssyncset.done $0x0  }
0x5c: {  	s17 =	rddreg [dreg:$0xd];
	[sflag:s13] =	ssyncadd.s32 $0xFFFF8000  }
0x5d: {  	[tilespmem:s10], [sflag:$0x2] =	stream.indirect.gather [hbm4b:s3+s7], $0x40, s17, s7, $0xb8;
	[tilespmem:$0x1F440] =	vst v63  }
0x5e: {  	_ =	swait.ge [sflag:s8], $0x8000  }
0x5f: {  	[sflag:s8] =	ssyncset.done $0x0  }
0x60: {  	s16 =	rddreg [dreg:$0xe];
	[sflag:s8] =	ssyncadd.s32 $0xFFFF8000  }
0x61: {  	[spmem:s2] =	stream.indirect.scatter.add.f32 [tilespmem:s11], [sflag:$0x3], $0x40, s16, s7, $0xb8;
	[tilespmem:$0x1F440] =	vst v63  }
0x62: {  	_ =	swait.ge [sflag:s14], $0x8000  }
0x63: {  	[sflag:s14] =	ssyncset.done $0x0  }
0x64: {  	s17 =	rddreg [dreg:$0xf];
	[sflag:s14] =	ssyncadd.s32 $0xFFFF8000  }
0x65: {  	[spmem:s2] =	stream.indirect.scatter.add.f32 [tilespmem:s10], [sflag:$0x4], $0x40, s17, s7, $0xb8;
	[tilespmem:$0x1F440] =	vst v63  }
0x66: {  	_ =	swait.ge [sflag:s12], $0x8000  }
0x67: {  	[sflag:s12] =	ssyncset.done $0x0  }
0x68: {  	s16 =	rddreg [dreg:$0x10];
	[sflag:s12] =	ssyncadd.s32 $0xFFFF8000  }
0x69: {  	[tilespmem:s11], [sflag:$0x1] =	stream.indirect.gather [hbm4b:s3+s7], $0x40, s16, s7, $0xb8;
	[tilespmem:$0x1F440] =	vst v63  }
0x6a: {  	_ =	swait.ge [sflag:s13], $0x8000  }
0x6b: {  	[sflag:s13] =	ssyncset.done $0x0  }
0x6c: {  	s17 =	rddreg [dreg:$0x11];
	[sflag:s13] =	ssyncadd.s32 $0xFFFF8000  }
0x6d: {  	[tilespmem:s10], [sflag:$0x2] =	stream.indirect.gather [hbm4b:s3+s7], $0x40, s17, s7, $0xb8;
	[tilespmem:$0x1F440] =	vst v63  }
0x6e: {  	_ =	swait.ge [sflag:s8], $0x8000  }
0x6f: {  	[sflag:s8] =	ssyncset.done $0x0  }
0x70: {  	s16 =	rddreg [dreg:$0x12];
	[sflag:s8] =	ssyncadd.s32 $0xFFFF8000  }
0x71: {  	[spmem:s2] =	stream.indirect.scatter.add.f32 [tilespmem:s11], [sflag:$0x3], $0x40, s16, s7, $0xb8;
	[tilespmem:$0x1F440] =	vst v63  }
0x72: {  	_ =	swait.ge [sflag:s14], $0x8000  }
0x73: {  	[sflag:s14] =	ssyncset.done $0x0  }
0x74: {  	s17 =	rddreg [dreg:$0x13];
	[sflag:s14] =	ssyncadd.s32 $0xFFFF8000  }
0x75: {  	[spmem:s2] =	stream.indirect.scatter.add.f32 [tilespmem:s10], [sflag:$0x4], $0x40, s17, s7, $0xb8;
	[tilespmem:$0x1F440] =	vst v63  }
0x76: {  	_ =	swait.ge [sflag:s12], $0x8000  }
0x77: {  	[sflag:s12] =	ssyncset.done $0x0  }
0x78: {  	s16 =	rddreg [dreg:$0x14];
	[sflag:s12] =	ssyncadd.s32 $0xFFFF8000  }
0x79: {  	[tilespmem:s11], [sflag:$0x1] =	stream.indirect.gather [hbm4b:s3+s7], $0x40, s16, s7, $0xb8;
	[tilespmem:$0x1F440] =	vst v63  }
0x7a: {  	_ =	swait.ge [sflag:s13], $0x8000  }
0x7b: {  	[sflag:s13] =	ssyncset.done $0x0  }
0x7c: {  	s17 =	rddreg [dreg:$0x15];
	[sflag:s13] =	ssyncadd.s32 $0xFFFF8000  }
0x7d: {  	[tilespmem:s10], [sflag:$0x2] =	stream.indirect.gather [hbm4b:s3+s7], $0x40, s17, s7, $0xb8;
	[tilespmem:$0x1F440] =	vst v63  }
0x7e: {  	_ =	swait.ge [sflag:s8], $0x8000  }
0x7f: {  	[sflag:s8] =	ssyncset.done $0x0  }
0x80: {  	s16 =	rddreg [dreg:$0x16];
	[sflag:s8] =	ssyncadd.s32 $0xFFFF8000  }
0x81: {  	[spmem:s2] =	stream.indirect.scatter.add.f32 [tilespmem:s11], [sflag:$0x3], $0x40, s16, s7, $0xb8;
	[tilespmem:$0x1F440] =	vst v63  }
0x82: {  	_ =	swait.ge [sflag:s14], $0x8000  }
0x83: {  	[sflag:s14] =	ssyncset.done $0x0  }
0x84: {  	s17 =	rddreg [dreg:$0x17];
	[sflag:s14] =	ssyncadd.s32 $0xFFFF8000  }
0x85: {  	[spmem:s2] =	stream.indirect.scatter.add.f32 [tilespmem:s10], [sflag:$0x4], $0x40, s17, s7, $0xb8;
	[tilespmem:$0x1F440] =	vst v63  }
0x86: {  	_ =	swait.ge [sflag:s12], $0x8000  }
0x87: {  	[sflag:s12] =	ssyncset.done $0x0  }
0x88: {  	s16 =	rddreg [dreg:$0x18];
	[sflag:s12] =	ssyncadd.s32 $0xFFFF8000  }
0x89: {  	[tilespmem:s11], [sflag:$0x1] =	stream.indirect.gather [hbm4b:s3+s7], $0x40, s16, s7, $0xb8;
	[tilespmem:$0x1F440] =	vst v63  }
0x8a: {  	_ =	swait.ge [sflag:s13], $0x8000  }
0x8b: {  	[sflag:s13] =	ssyncset.done $0x0  }
0x8c: {  	s17 =	rddreg [dreg:$0x19];
	[sflag:s13] =	ssyncadd.s32 $0xFFFF8000  }
0x8d: {  	[tilespmem:s10], [sflag:$0x2] =	stream.indirect.gather [hbm4b:s3+s7], $0x40, s17, s7, $0xb8;
	[tilespmem:$0x1F440] =	vst v63  }
0x8e: {  	_ =	swait.ge [sflag:s8], $0x8000  }
0x8f: {  	[sflag:s8] =	ssyncset.done $0x0  }
0x90: {  	s16 =	rddreg [dreg:$0x1a];
	[sflag:s8] =	ssyncadd.s32 $0xFFFF8000  }
0x91: {  	[spmem:s2] =	stream.indirect.scatter.add.f32 [tilespmem:s11], [sflag:$0x3], $0x40, s16, s7, $0xb8;
	[tilespmem:$0x1F440] =	vst v63  }
0x92: {  	_ =	swait.ge [sflag:s14], $0x8000  }
0x93: {  	[sflag:s14] =	ssyncset.done $0x0  }
0x94: {  	s17 =	rddreg [dreg:$0x1b];
	[sflag:s14] =	ssyncadd.s32 $0xFFFF8000  }
0x95: {  	[spmem:s2] =	stream.indirect.scatter.add.f32 [tilespmem:s10], [sflag:$0x4], $0x40, s17, s7, $0xb8;
	[tilespmem:$0x1F440] =	vst v63  }
0x96: {  	_ =	swait.ge [sflag:s12], $0x8000  }
0x97: {  	[sflag:s12] =	ssyncset.done $0x0  }
0x98: {  	s16 =	rddreg [dreg:$0x1c];
	[sflag:s12] =	ssyncadd.s32 $0xFFFF8000  }
0x99: {  	[tilespmem:s11], [sflag:$0x1] =	stream.indirect.gather [hbm4b:s3+s7], $0x40, s16, s7, $0xb8;
	[tilespmem:$0x1F440] =	vst v63  }
0x9a: {  	_ =	swait.ge [sflag:s13], $0x8000  }
0x9b: {  	[sflag:s13] =	ssyncset.done $0x0  }
0x9c: {  	s17 =	rddreg [dreg:$0x1d];
	[sflag:s13] =	ssyncadd.s32 $0xFFFF8000  }
0x9d: {  	[tilespmem:s10], [sflag:$0x2] =	stream.indirect.gather [hbm4b:s3+s7], $0x40, s17, s7, $0xb8;
	[tilespmem:$0x1F440] =	vst v63  }
0x9e: {  	_ =	swait.ge [sflag:s8], $0x8000  }
0x9f: {  	[sflag:s8] =	ssyncset.done $0x0  }
0xa0: {  	s16 =	rddreg [dreg:$0x1e];
	[sflag:s8] =	ssyncadd.s32 $0xFFFF8000  }
0xa1: {  	[spmem:s2] =	stream.indirect.scatter.add.f32 [tilespmem:s11], [sflag:$0x3], $0x40, s16, s7, $0xb8;
	[tilespmem:$0x1F440] =	vst v63  }
0xa2: {  	_ =	swait.ge [sflag:s14], $0x8000  }
0xa3: {  	[sflag:s14] =	ssyncset.done $0x0  }
0xa4: {  	s17 =	rddreg [dreg:$0x1f];
	[sflag:s14] =	ssyncadd.s32 $0xFFFF8000  }
0xa5: {  	[spmem:s2] =	stream.indirect.scatter.add.f32 [tilespmem:s10], [sflag:$0x4], $0x40, s17, s7, $0xb8;
	[tilespmem:$0x1F440] =	vst v63  }
0xa6: {  	_ =	swait.ge [sflag:s12], $0x8000  }
0xa7: {  	s16 =	sld [smem:$0x7F6]  }
0xa8: {  	[sflag:s12] =	ssyncset.done $0x0  }
0xa9: {  	[sflag:s12] =	ssyncadd.s32 $0xFFFF8000  }
0xaa: {  	[tilespmem:s11], [sflag:$0x1] =	stream.indirect.gather [hbm4b:s3+s7], $0x40, s16, s7, $0xb8;
	[tilespmem:$0x1F440] =	vst v63  }
0xab: {  	_ =	swait.ge [sflag:s13], $0x8000  }
0xac: {  	s17 =	sld [smem:$0x7F7]  }
0xad: {  	[sflag:s13] =	ssyncset.done $0x0  }
0xae: {  	[sflag:s13] =	ssyncadd.s32 $0xFFFF8000  }
0xaf: {  	[tilespmem:s10], [sflag:$0x2] =	stream.indirect.gather [hbm4b:s3+s7], $0x40, s17, s7, $0xb8;
	[tilespmem:$0x1F440] =	vst v63  }
0xb0: {  	_ =	swait.ge [sflag:s8], $0x8000  }
0xb1: {  	s16 =	sld [smem:$0x7F8]  }
0xb2: {  	[sflag:s8] =	ssyncset.done $0x0  }
0xb3: {  	[sflag:s8] =	ssyncadd.s32 $0xFFFF8000  }
0xb4: {  	[spmem:s2] =	stream.indirect.scatter.add.f32 [tilespmem:s11], [sflag:$0x3], $0x40, s16, s7, $0xb8;
	[tilespmem:$0x1F440] =	vst v63  }
0xb5: {  	_ =	swait.ge [sflag:s14], $0x8000  }
0xb6: {  	s17 =	sld [smem:$0x7F9]  }
0xb7: {  	[sflag:s14] =	ssyncset.done $0x0  }
0xb8: {  	[sflag:s14] =	ssyncadd.s32 $0xFFFF8000  }
0xb9: {  	[spmem:s2] =	stream.indirect.scatter.add.f32 [tilespmem:s10], [sflag:$0x4], $0x40, s17, s7, $0xb8;
	[tilespmem:$0x1F440] =	vst v63  }
0xba: {  	_ =	swait.ge [sflag:s12], $0x8000  }
0xbb: {  	s16 =	sld [smem:$0x7FA]  }
0xbc: {  	[sflag:s12] =	ssyncset.done $0x0  }
0xbd: {  	[sflag:s12] =	ssyncadd.s32 $0xFFFF8000  }
0xbe: {  	[tilespmem:s11], [sflag:$0x1] =	stream.indirect.gather [hbm4b:s3+s7], $0x40, s16, s7, $0xb8;
	[tilespmem:$0x1F440] =	vst v63  }
0xbf: {  	_ =	swait.ge [sflag:s13], $0x8000  }
0xc0: {  	s17 =	sld [smem:$0x7FB]  }
0xc1: {  	[sflag:s13] =	ssyncset.done $0x0  }
0xc2: {  	[sflag:s13] =	ssyncadd.s32 $0xFFFF8000  }
0xc3: {  	[tilespmem:s10], [sflag:$0x2] =	stream.indirect.gather [hbm4b:s3+s7], $0x40, s17, s7, $0xb8;
	[tilespmem:$0x1F440] =	vst v63  }
0xc4: {  	_ =	swait.ge [sflag:s8], $0x8000  }
0xc5: {  	s16 =	sld [smem:$0x7FC]  }
0xc6: {  	[sflag:s8] =	ssyncset.done $0x0  }
0xc7: {  	[sflag:s8] =	ssyncadd.s32 $0xFFFF8000  }
0xc8: {  	[spmem:s2] =	stream.indirect.scatter.add.f32 [tilespmem:s11], [sflag:$0x3], $0x40, s16, s7, $0xb8;
	[tilespmem:$0x1F440] =	vst v63  }
0xc9: {  	_ =	swait.ge [sflag:s14], $0x8000  }
0xca: {  	s17 =	sld [smem:$0x7FD]  }
0xcb: {  	[sflag:s14] =	ssyncset.done $0x0  }
0xcc: {  	[sflag:s14] =	ssyncadd.s32 $0xFFFF8000  }
0xcd: {  	[spmem:s2] =	stream.indirect.scatter.add.f32 [tilespmem:s10], [sflag:$0x4], $0x40, s17, s7, $0xb8;
	[tilespmem:$0x1F440] =	vst v63  }
0xce: {  	_ =	swait.ge [sflag:s12], $0x8000  }
0xcf: {  	[sflag:s12] =	ssyncset.done $0x0  }
0xd0: {  	s28 =	simm.s32 $0x2000;
	[sflag:s12] =	ssyncadd.s32 $0xFFFF8000  }
0xd1: {  	[tilespmem:s11], [sflag:$0x1] =	stream.indirect.gather [hbm4b:s3+s7], $0x40, s28, s7, $0xb8;
	[tilespmem:$0x1F440] =	vst v63  }
0xd2: {  	_ =	swait.ge [sflag:s13], $0x8000  }
0xd3: {  	[sflag:s13] =	ssyncset.done $0x0  }
0xd4: {  	s23 =	simm.s32 $0x2200;
	[sflag:s13] =	ssyncadd.s32 $0xFFFF8000  }
0xd5: {  	[tilespmem:s10], [sflag:$0x2] =	stream.indirect.gather [hbm4b:s3+s7], $0x40, s23, s7, $0xb8;
	[tilespmem:$0x1F440] =	vst v63  }
0xd6: {  	_ =	swait.ge [sflag:s8], $0x8000  }
0xd7: {  	[sflag:s8] =	ssyncset.done $0x0  }
0xd8: {  	s22 =	simm.s32 $0x4800;
	[sflag:s8] =	ssyncadd.s32 $0xFFFF8000  }
0xd9: {  	[spmem:s2] =	stream.indirect.scatter.add.f32 [tilespmem:s11], [sflag:$0x3], $0x40, s22, s7, $0xb8;
	[tilespmem:$0x1F440] =	vst v63  }
0xda: {  	_ =	swait.ge [sflag:s14], $0x8000  }
0xdb: {  	[sflag:s14] =	ssyncset.done $0x0  }
0xdc: {  	s21 =	simm.s32 $0x4A00;
	[sflag:s14] =	ssyncadd.s32 $0xFFFF8000  }
0xdd: {  	[spmem:s2] =	stream.indirect.scatter.add.f32 [tilespmem:s10], [sflag:$0x4], $0x40, s21, s7, $0xb8;
	[tilespmem:$0x1F440] =	vst v63  }
0xde: {  	_ =	swait.ge [sflag:s12], $0x8000  }
0xdf: {  	[sflag:s12] =	ssyncset.done $0x0  }
0xe0: {  	s20 =	simm.s32 $0x2400;
	[sflag:s12] =	ssyncadd.s32 $0xFFFF8000  }
0xe1: {  	[tilespmem:s11], [sflag:$0x1] =	stream.indirect.gather [hbm4b:s3+s7], $0x40, s20, s7, $0xb8;
	[tilespmem:$0x1F440] =	vst v63  }
0xe2: {  	_ =	swait.ge [sflag:s13], $0x8000  }
0xe3: {  	[sflag:s13] =	ssyncset.done $0x0  }
0xe4: {  	[sflag:s13] =	ssyncadd.s32 $0xFFFF8000  }
0xe5: {  	[tilespmem:s10], [sflag:$0x2] =	stream.indirect.gather [hbm4b:s3+s7], $0x40, s9, s7, $0xb8;
	[tilespmem:$0x1F440] =	vst v63  }
0xe6: {  	_ =	swait.ge [sflag:s8], $0x8000  }
0xe7: {  	[sflag:s8] =	ssyncset.done $0x0  }
0xe8: {  	s19 =	simm.s32 $0x4C00;
	[sflag:s8] =	ssyncadd.s32 $0xFFFF8000  }
0xe9: {  	[spmem:s2] =	stream.indirect.scatter.add.f32 [tilespmem:s11], [sflag:$0x3], $0x40, s19, s7, $0xb8;
	[tilespmem:$0x1F440] =	vst v63  }
0xea: {  	_ =	swait.ge [sflag:s14], $0x8000  }
0xeb: {  	[sflag:s14] =	ssyncset.done $0x0  }
0xec: {  	s29 =	simm.s32 $0x4E00;
	[sflag:s14] =	ssyncadd.s32 $0xFFFF8000  }
0xed: {  	[spmem:s2] =	stream.indirect.scatter.add.f32 [tilespmem:s10], [sflag:$0x4], $0x40, s29, s7, $0xb8;
	[tilespmem:$0x1F440] =	vst v63  }
0xee: {  	_ =	swait.ge [sflag:s12], $0x8000  }
0xef: {  	s18 =	simm.s32 $0x10;
	[sflag:s12] =	ssyncset.done $0x0  }
0xf0: {  	s31 =	simm.s32 $0x8;
	s1 =	sadd.s32 $0xFFFFFFFF, s1;
	[sflag:s12] =	ssyncadd.s32 $0xFFFF8000  }
0xf1: {  	p1 =	por $0x1, $0x1;
	p2 =	sne.s32 s1, $0x0;
	_ =	swait.ge [sflag:s13], $0x8000  }
0xf2: {  	s0 =	simm.s32 @!p0 $0x4E00;
	s16 =	simm.s32 $0x2000;
	[sflag:s13] =	ssyncset.done $0x0  }
0xf3: {  	s17 =	simm.s32 $0x10;
	s28 =	simm.s32 $0x2200;
	[sflag:s13] =	ssyncadd.s32 $0xFFFF8000  }
.Ltmp1:
0xf4: {  	s23 =	simm.s32 $0x4800;
	[bflag:$0x0] =	sbarrier.arrive $0xFFFF;
	(pc) =	sbr.rel @!p2 .LBB2_2-.Ltmp1, $4  }
0xf5: {  	s22 =	simm.s32 $0x4A00;
	s21 =	simm.s32 $0x2400;
	s15 =	rddreg [dreg:$0x9]  }
0xf6: {  	[hbm:s15@s18], [sflag:s4] =	dma.strided [spmem:s5@s31], $0x1388, s8, $0x8   }
0xf7: {  	s20 =	simm.s32 $0x4C00;
	s19 =	simm.s32 $0x4E00;
	_ =	swait.ge [sflag:s6], $0x1388  }
0xf8: {  	s29 =	simm.s32 $0x8;
	s15 =	rddreg [dreg:$0x4];
	[sflag:s6] =	ssyncset.done $0x0  }
.LBB2_3:
0xf9: {  	[sflag:s6] =	ssyncadd.s32 $0xFFFFEC78  }
0xfa: {  	[spmem:s5], [sflag:s4] =	dma.local [hbm:s15], $0x1388  }
0xfb: {  	_ =	swait.ge [sflag:s6], $0x1388  }
0xfc: {  	[sflag:s6] =	ssyncset.done $0x0  }
0xfd: {  	s31 =	rddreg [dreg:$0x6];
	[sflag:s6] =	ssyncadd.s32 $0xFFFFEC78  }
0xfe: {  	[tilespmem:s25], [sflag:$0x5] =	stream.linear.gather [hbm4b:s31+s24], $0x2600, $0x38;
	[tilespmem:$0x1F440] =	vst v63  }
0xff: {  	_ =	swait.ge [sflag:s6], $0x2600  }
0x100: {  	[sflag:s6] =	ssyncset.done $0x0  }
0x101: {  	s18 =	rddreg [dreg:$0x7];
	[sflag:s6] =	ssyncadd.s32 $0xFFFFDA00  }
0x102: {  	[tilespmem:s24], [sflag:$0x5] =	stream.linear.gather [hbm4b:s18+s24], $0x2600, $0x38;
	[tilespmem:$0x1F440] =	vst v63  }
0x103: {  	_ =	swait.ge [sflag:s6], $0x2600  }
0x104: {  	s31 =	simm.s32 @p0 $0x4E00;
	[sflag:s6] =	ssyncset.done $0x0  }
0x105: {  	s18 =	simm.s32 @p0 $0x0;
	s15 =	rddreg [dreg:$0x5];
	[sflag:s6] =	ssyncadd.s32 $0xFFFFDA00  }
0x106: {  	[tilespmem:s31], [sflag:$0x5] =	stream.linear.gather @p0 [hbm4b:s15+s18], $0x200, $0x38;
	[tilespmem:$0x1F440] =	vst v63  }
0x107: {  	_ =	swait.ge @p0 [sflag:s26], $0x200  }
0x108: {  	[sflag:s26] =	ssyncset.done @p0 $0x0  }
0x109: {  	s18 =	simm.s32 @!p0 $0x0;
	s15 =	rddreg [dreg:$0x8];
	[sflag:s26] =	ssyncadd.s32 @p0 $0xFFFFFE00  }
0x10a: {  	[tilespmem:s0], [sflag:$0x5] =	stream.linear.gather @!p0 [hbm4b:s15+s18], $0x200, $0x38;
	[tilespmem:$0x1F440] =	vst v63  }
0x10b: {  	_ =	swait.ge @!p0 [sflag:s30], $0x200  }
0x10c: {  	[sflag:s30] =	ssyncset.done @!p0 $0x0  }
0x10d: {  	s31 =	rddreg [dreg:$0xa];
	[sflag:s30] =	ssyncadd.s32 @!p0 $0xFFFFFE00  }
0x10e: {  	[tilespmem:s9], [sflag:$0x5] =	stream.linear.gather [hbm4b:s31+s24], $0x200, $0x38;
	[tilespmem:$0x1F440] =	vst v63  }
0x10f: {  	_ =	swait.ge [sflag:s6], $0x200  }
0x110: {  	[sflag:s6] =	ssyncset.done $0x0  }
0x111: {  	[sflag:s6] =	ssyncadd.s32 $0xFFFFFE00  }
0x112: {  	[bflag:$0x0] =	sbarrier.arrive $0xFFFF  }
0x113: {  	[tilespmem:s11], [sflag:$0x1] =	stream.indirect.gather [hbm4b:s3+s7], $0x40, s24, s7, $0xb8;
	[tilespmem:$0x1F440] =	vst v63  }
0x114: {  	_ = 	snop  }
0x115: {  	[tilespmem:s10], [sflag:$0x2] =	stream.indirect.gather [hbm4b:s3+s7], $0x40, s7, s7, $0xb8;
	[tilespmem:$0x1F440] =	vst v63  }
0x116: {  	_ =	swait.ge [sflag:s8], $0x8000  }
0x117: {  	[sflag:s8] =	ssyncset.done $0x0  }
0x118: {  	[sflag:s8] =	ssyncadd.s32 $0xFFFF8000  }
0x119: {  	[spmem:s2] =	stream.indirect.scatter.add.f32 [tilespmem:s11], [sflag:$0x3], $0x40, s25, s7, $0xb8;
	[tilespmem:$0x1F440] =	vst v63  }
0x11a: {  	_ =	swait.ge [sflag:s14], $0x8000  }
0x11b: {  	[sflag:s14] =	ssyncset.done $0x0  }
0x11c: {  	s18 =	rddreg [dreg:$0xb];
	[sflag:s14] =	ssyncadd.s32 $0xFFFF8000  }
0x11d: {  	[spmem:s2] =	stream.indirect.scatter.add.f32 [tilespmem:s10], [sflag:$0x4], $0x40, s18, s7, $0xb8;
	[tilespmem:$0x1F440] =	vst v63  }
0x11e: {  	_ =	swait.ge [sflag:s12], $0x8000  }
0x11f: {  	[sflag:s12] =	ssyncset.done $0x0  }
0x120: {  	s31 =	rddreg [dreg:$0xc];
	[sflag:s12] =	ssyncadd.s32 $0xFFFF8000  }
0x121: {  	[tilespmem:s11], [sflag:$0x1] =	stream.indirect.gather [hbm4b:s3+s7], $0x40, s31, s7, $0xb8;
	[tilespmem:$0x1F440] =	vst v63  }
0x122: {  	_ =	swait.ge [sflag:s13], $0x8000  }
0x123: {  	[sflag:s13] =	ssyncset.done $0x0  }
0x124: {  	s18 =	rddreg [dreg:$0xd];
	[sflag:s13] =	ssyncadd.s32 $0xFFFF8000  }
0x125: {  	[tilespmem:s10], [sflag:$0x2] =	stream.indirect.gather [hbm4b:s3+s7], $0x40, s18, s7, $0xb8;
	[tilespmem:$0x1F440] =	vst v63  }
0x126: {  	_ =	swait.ge [sflag:s8], $0x8000  }
0x127: {  	[sflag:s8] =	ssyncset.done $0x0  }
0x128: {  	s31 =	rddreg [dreg:$0xe];
	[sflag:s8] =	ssyncadd.s32 $0xFFFF8000  }
0x129: {  	[spmem:s2] =	stream.indirect.scatter.add.f32 [tilespmem:s11], [sflag:$0x3], $0x40, s31, s7, $0xb8;
	[tilespmem:$0x1F440] =	vst v63  }
0x12a: {  	_ =	swait.ge [sflag:s14], $0x8000  }
0x12b: {  	[sflag:s14] =	ssyncset.done $0x0  }
0x12c: {  	s18 =	rddreg [dreg:$0xf];
	[sflag:s14] =	ssyncadd.s32 $0xFFFF8000  }
0x12d: {  	[spmem:s2] =	stream.indirect.scatter.add.f32 [tilespmem:s10], [sflag:$0x4], $0x40, s18, s7, $0xb8;
	[tilespmem:$0x1F440] =	vst v63  }
0x12e: {  	_ =	swait.ge [sflag:s12], $0x8000  }
0x12f: {  	[sflag:s12] =	ssyncset.done $0x0  }
0x130: {  	s31 =	rddreg [dreg:$0x10];
	[sflag:s12] =	ssyncadd.s32 $0xFFFF8000  }
0x131: {  	[tilespmem:s11], [sflag:$0x1] =	stream.indirect.gather [hbm4b:s3+s7], $0x40, s31, s7, $0xb8;
	[tilespmem:$0x1F440] =	vst v63  }
0x132: {  	_ =	swait.ge [sflag:s13], $0x8000  }
0x133: {  	[sflag:s13] =	ssyncset.done $0x0  }
0x134: {  	s18 =	rddreg [dreg:$0x11];
	[sflag:s13] =	ssyncadd.s32 $0xFFFF8000  }
0x135: {  	[tilespmem:s10], [sflag:$0x2] =	stream.indirect.gather [hbm4b:s3+s7], $0x40, s18, s7, $0xb8;
	[tilespmem:$0x1F440] =	vst v63  }
0x136: {  	_ =	swait.ge [sflag:s8], $0x8000  }
0x137: {  	[sflag:s8] =	ssyncset.done $0x0  }
0x138: {  	s31 =	rddreg [dreg:$0x12];
	[sflag:s8] =	ssyncadd.s32 $0xFFFF8000  }
0x139: {  	[spmem:s2] =	stream.indirect.scatter.add.f32 [tilespmem:s11], [sflag:$0x3], $0x40, s31, s7, $0xb8;
	[tilespmem:$0x1F440] =	vst v63  }
0x13a: {  	_ =	swait.ge [sflag:s14], $0x8000  }
0x13b: {  	[sflag:s14] =	ssyncset.done $0x0  }
0x13c: {  	s18 =	rddreg [dreg:$0x13];
	[sflag:s14] =	ssyncadd.s32 $0xFFFF8000  }
0x13d: {  	[spmem:s2] =	stream.indirect.scatter.add.f32 [tilespmem:s10], [sflag:$0x4], $0x40, s18, s7, $0xb8;
	[tilespmem:$0x1F440] =	vst v63  }
0x13e: {  	_ =	swait.ge [sflag:s12], $0x8000  }
0x13f: {  	[sflag:s12] =	ssyncset.done $0x0  }
0x140: {  	s31 =	rddreg [dreg:$0x14];
	[sflag:s12] =	ssyncadd.s32 $0xFFFF8000  }
0x141: {  	[tilespmem:s11], [sflag:$0x1] =	stream.indirect.gather [hbm4b:s3+s7], $0x40, s31, s7, $0xb8;
	[tilespmem:$0x1F440] =	vst v63  }
0x142: {  	_ =	swait.ge [sflag:s13], $0x8000  }
0x143: {  	[sflag:s13] =	ssyncset.done $0x0  }
0x144: {  	s18 =	rddreg [dreg:$0x15];
	[sflag:s13] =	ssyncadd.s32 $0xFFFF8000  }
0x145: {  	[tilespmem:s10], [sflag:$0x2] =	stream.indirect.gather [hbm4b:s3+s7], $0x40, s18, s7, $0xb8;
	[tilespmem:$0x1F440] =	vst v63  }
0x146: {  	_ =	swait.ge [sflag:s8], $0x8000  }
0x147: {  	[sflag:s8] =	ssyncset.done $0x0  }
0x148: {  	s31 =	rddreg [dreg:$0x16];
	[sflag:s8] =	ssyncadd.s32 $0xFFFF8000  }
0x149: {  	[spmem:s2] =	stream.indirect.scatter.add.f32 [tilespmem:s11], [sflag:$0x3], $0x40, s31, s7, $0xb8;
	[tilespmem:$0x1F440] =	vst v63  }
0x14a: {  	_ =	swait.ge [sflag:s14], $0x8000  }
0x14b: {  	[sflag:s14] =	ssyncset.done $0x0  }
0x14c: {  	s18 =	rddreg [dreg:$0x17];
	[sflag:s14] =	ssyncadd.s32 $0xFFFF8000  }
0x14d: {  	[spmem:s2] =	stream.indirect.scatter.add.f32 [tilespmem:s10], [sflag:$0x4], $0x40, s18, s7, $0xb8;
	[tilespmem:$0x1F440] =	vst v63  }
0x14e: {  	_ =	swait.ge [sflag:s12], $0x8000  }
0x14f: {  	[sflag:s12] =	ssyncset.done $0x0  }
0x150: {  	s31 =	rddreg [dreg:$0x18];
	[sflag:s12] =	ssyncadd.s32 $0xFFFF8000  }
0x151: {  	[tilespmem:s11], [sflag:$0x1] =	stream.indirect.gather [hbm4b:s3+s7], $0x40, s31, s7, $0xb8;
	[tilespmem:$0x1F440] =	vst v63  }
0x152: {  	_ =	swait.ge [sflag:s13], $0x8000  }
0x153: {  	[sflag:s13] =	ssyncset.done $0x0  }
0x154: {  	s18 =	rddreg [dreg:$0x19];
	[sflag:s13] =	ssyncadd.s32 $0xFFFF8000  }
0x155: {  	[tilespmem:s10], [sflag:$0x2] =	stream.indirect.gather [hbm4b:s3+s7], $0x40, s18, s7, $0xb8;
	[tilespmem:$0x1F440] =	vst v63  }
0x156: {  	_ =	swait.ge [sflag:s8], $0x8000  }
0x157: {  	[sflag:s8] =	ssyncset.done $0x0  }
0x158: {  	s31 =	rddreg [dreg:$0x1a];
	[sflag:s8] =	ssyncadd.s32 $0xFFFF8000  }
0x159: {  	[spmem:s2] =	stream.indirect.scatter.add.f32 [tilespmem:s11], [sflag:$0x3], $0x40, s31, s7, $0xb8;
	[tilespmem:$0x1F440] =	vst v63  }
0x15a: {  	_ =	swait.ge [sflag:s14], $0x8000  }
0x15b: {  	[sflag:s14] =	ssyncset.done $0x0  }
0x15c: {  	s18 =	rddreg [dreg:$0x1b];
	[sflag:s14] =	ssyncadd.s32 $0xFFFF8000  }
0x15d: {  	[spmem:s2] =	stream.indirect.scatter.add.f32 [tilespmem:s10], [sflag:$0x4], $0x40, s18, s7, $0xb8;
	[tilespmem:$0x1F440] =	vst v63  }
0x15e: {  	_ =	swait.ge [sflag:s12], $0x8000  }
0x15f: {  	[sflag:s12] =	ssyncset.done $0x0  }
0x160: {  	s31 =	rddreg [dreg:$0x1c];
	[sflag:s12] =	ssyncadd.s32 $0xFFFF8000  }
0x161: {  	[tilespmem:s11], [sflag:$0x1] =	stream.indirect.gather [hbm4b:s3+s7], $0x40, s31, s7, $0xb8;
	[tilespmem:$0x1F440] =	vst v63  }
0x162: {  	_ =	swait.ge [sflag:s13], $0x8000  }
0x163: {  	[sflag:s13] =	ssyncset.done $0x0  }
0x164: {  	s18 =	rddreg [dreg:$0x1d];
	[sflag:s13] =	ssyncadd.s32 $0xFFFF8000  }
0x165: {  	[tilespmem:s10], [sflag:$0x2] =	stream.indirect.gather [hbm4b:s3+s7], $0x40, s18, s7, $0xb8;
	[tilespmem:$0x1F440] =	vst v63  }
0x166: {  	_ =	swait.ge [sflag:s8], $0x8000  }
0x167: {  	[sflag:s8] =	ssyncset.done $0x0  }
0x168: {  	s31 =	rddreg [dreg:$0x1e];
	[sflag:s8] =	ssyncadd.s32 $0xFFFF8000  }
0x169: {  	[spmem:s2] =	stream.indirect.scatter.add.f32 [tilespmem:s11], [sflag:$0x3], $0x40, s31, s7, $0xb8;
	[tilespmem:$0x1F440] =	vst v63  }
0x16a: {  	_ =	swait.ge [sflag:s14], $0x8000  }
0x16b: {  	[sflag:s14] =	ssyncset.done $0x0  }
0x16c: {  	s18 =	rddreg [dreg:$0x1f];
	[sflag:s14] =	ssyncadd.s32 $0xFFFF8000  }
0x16d: {  	[spmem:s2] =	stream.indirect.scatter.add.f32 [tilespmem:s10], [sflag:$0x4], $0x40, s18, s7, $0xb8;
	[tilespmem:$0x1F440] =	vst v63  }
0x16e: {  	_ =	swait.ge [sflag:s12], $0x8000  }
0x16f: {  	s31 =	sld [smem:$0x7F6]  }
0x170: {  	[sflag:s12] =	ssyncset.done $0x0  }
0x171: {  	[sflag:s12] =	ssyncadd.s32 $0xFFFF8000  }
0x172: {  	[tilespmem:s11], [sflag:$0x1] =	stream.indirect.gather [hbm4b:s3+s7], $0x40, s31, s7, $0xb8;
	[tilespmem:$0x1F440] =	vst v63  }
0x173: {  	_ =	swait.ge [sflag:s13], $0x8000  }
0x174: {  	s18 =	sld [smem:$0x7F7]  }
0x175: {  	[sflag:s13] =	ssyncset.done $0x0  }
0x176: {  	[sflag:s13] =	ssyncadd.s32 $0xFFFF8000  }
0x177: {  	[tilespmem:s10], [sflag:$0x2] =	stream.indirect.gather [hbm4b:s3+s7], $0x40, s18, s7, $0xb8;
	[tilespmem:$0x1F440] =	vst v63  }
0x178: {  	_ =	swait.ge [sflag:s8], $0x8000  }
0x179: {  	s31 =	sld [smem:$0x7F8]  }
0x17a: {  	[sflag:s8] =	ssyncset.done $0x0  }
0x17b: {  	[sflag:s8] =	ssyncadd.s32 $0xFFFF8000  }
0x17c: {  	[spmem:s2] =	stream.indirect.scatter.add.f32 [tilespmem:s11], [sflag:$0x3], $0x40, s31, s7, $0xb8;
	[tilespmem:$0x1F440] =	vst v63  }
0x17d: {  	_ =	swait.ge [sflag:s14], $0x8000  }
0x17e: {  	s18 =	sld [smem:$0x7F9]  }
0x17f: {  	[sflag:s14] =	ssyncset.done $0x0  }
0x180: {  	[sflag:s14] =	ssyncadd.s32 $0xFFFF8000  }
0x181: {  	[spmem:s2] =	stream.indirect.scatter.add.f32 [tilespmem:s10], [sflag:$0x4], $0x40, s18, s7, $0xb8;
	[tilespmem:$0x1F440] =	vst v63  }
0x182: {  	_ =	swait.ge [sflag:s12], $0x8000  }
0x183: {  	s31 =	sld [smem:$0x7FA]  }
0x184: {  	[sflag:s12] =	ssyncset.done $0x0  }
0x185: {  	[sflag:s12] =	ssyncadd.s32 $0xFFFF8000  }
0x186: {  	[tilespmem:s11], [sflag:$0x1] =	stream.indirect.gather [hbm4b:s3+s7], $0x40, s31, s7, $0xb8;
	[tilespmem:$0x1F440] =	vst v63  }
0x187: {  	_ =	swait.ge [sflag:s13], $0x8000  }
0x188: {  	s18 =	sld [smem:$0x7FB]  }
0x189: {  	[sflag:s13] =	ssyncset.done $0x0  }
0x18a: {  	[sflag:s13] =	ssyncadd.s32 $0xFFFF8000  }
0x18b: {  	[tilespmem:s10], [sflag:$0x2] =	stream.indirect.gather [hbm4b:s3+s7], $0x40, s18, s7, $0xb8;
	[tilespmem:$0x1F440] =	vst v63  }
0x18c: {  	_ =	swait.ge [sflag:s8], $0x8000  }
0x18d: {  	s31 =	sld [smem:$0x7FC]  }
0x18e: {  	[sflag:s8] =	ssyncset.done $0x0  }
0x18f: {  	[sflag:s8] =	ssyncadd.s32 $0xFFFF8000  }
0x190: {  	[spmem:s2] =	stream.indirect.scatter.add.f32 [tilespmem:s11], [sflag:$0x3], $0x40, s31, s7, $0xb8;
	[tilespmem:$0x1F440] =	vst v63  }
0x191: {  	_ =	swait.ge [sflag:s14], $0x8000  }
0x192: {  	s18 =	sld [smem:$0x7FD]  }
0x193: {  	[sflag:s14] =	ssyncset.done $0x0  }
0x194: {  	[sflag:s14] =	ssyncadd.s32 $0xFFFF8000  }
0x195: {  	[spmem:s2] =	stream.indirect.scatter.add.f32 [tilespmem:s10], [sflag:$0x4], $0x40, s18, s7, $0xb8;
	[tilespmem:$0x1F440] =	vst v63  }
0x196: {  	_ =	swait.ge [sflag:s12], $0x8000  }
0x197: {  	[sflag:s12] =	ssyncset.done $0x0  }
0x198: {  	[sflag:s12] =	ssyncadd.s32 $0xFFFF8000  }
0x199: {  	[tilespmem:s11], [sflag:$0x1] =	stream.indirect.gather [hbm4b:s3+s7], $0x40, s16, s7, $0xb8;
	[tilespmem:$0x1F440] =	vst v63  }
0x19a: {  	_ =	swait.ge [sflag:s13], $0x8000  }
0x19b: {  	[sflag:s13] =	ssyncset.done $0x0  }
0x19c: {  	[sflag:s13] =	ssyncadd.s32 $0xFFFF8000  }
0x19d: {  	[tilespmem:s10], [sflag:$0x2] =	stream.indirect.gather [hbm4b:s3+s7], $0x40, s28, s7, $0xb8;
	[tilespmem:$0x1F440] =	vst v63  }
0x19e: {  	_ =	swait.ge [sflag:s8], $0x8000  }
0x19f: {  	[sflag:s8] =	ssyncset.done $0x0  }
0x1a0: {  	[sflag:s8] =	ssyncadd.s32 $0xFFFF8000  }
0x1a1: {  	[spmem:s2] =	stream.indirect.scatter.add.f32 [tilespmem:s11], [sflag:$0x3], $0x40, s23, s7, $0xb8;
	[tilespmem:$0x1F440] =	vst v63  }
0x1a2: {  	_ =	swait.ge [sflag:s14], $0x8000  }
0x1a3: {  	[sflag:s14] =	ssyncset.done $0x0  }
0x1a4: {  	[sflag:s14] =	ssyncadd.s32 $0xFFFF8000  }
0x1a5: {  	[spmem:s2] =	stream.indirect.scatter.add.f32 [tilespmem:s10], [sflag:$0x4], $0x40, s22, s7, $0xb8;
	[tilespmem:$0x1F440] =	vst v63  }
0x1a6: {  	_ =	swait.ge [sflag:s12], $0x8000  }
0x1a7: {  	[sflag:s12] =	ssyncset.done $0x0  }
0x1a8: {  	[sflag:s12] =	ssyncadd.s32 $0xFFFF8000  }
0x1a9: {  	[tilespmem:s11], [sflag:$0x1] =	stream.indirect.gather [hbm4b:s3+s7], $0x40, s21, s7, $0xb8;
	[tilespmem:$0x1F440] =	vst v63  }
0x1aa: {  	_ =	swait.ge [sflag:s13], $0x8000  }
0x1ab: {  	[sflag:s13] =	ssyncset.done $0x0  }
0x1ac: {  	[sflag:s13] =	ssyncadd.s32 $0xFFFF8000  }
0x1ad: {  	[tilespmem:s10], [sflag:$0x2] =	stream.indirect.gather [hbm4b:s3+s7], $0x40, s9, s7, $0xb8;
	[tilespmem:$0x1F440] =	vst v63  }
0x1ae: {  	_ =	swait.ge [sflag:s8], $0x8000  }
0x1af: {  	[sflag:s8] =	ssyncset.done $0x0  }
0x1b0: {  	[sflag:s8] =	ssyncadd.s32 $0xFFFF8000  }
0x1b1: {  	[spmem:s2] =	stream.indirect.scatter.add.f32 [tilespmem:s11], [sflag:$0x3], $0x40, s20, s7, $0xb8;
	[tilespmem:$0x1F440] =	vst v63  }
0x1b2: {  	_ =	swait.ge [sflag:s14], $0x8000  }
0x1b3: {  	[sflag:s14] =	ssyncset.done $0x0  }
0x1b4: {  	[sflag:s14] =	ssyncadd.s32 $0xFFFF8000  }
0x1b5: {  	[spmem:s2] =	stream.indirect.scatter.add.f32 [tilespmem:s10], [sflag:$0x4], $0x40, s19, s7, $0xb8;
	[tilespmem:$0x1F440] =	vst v63  }
0x1b6: {  	_ =	swait.ge [sflag:s12], $0x8000  }
0x1b7: {  	[sflag:s12] =	ssyncset.done $0x0  }
0x1b8: {  	[sflag:s12] =	ssyncadd.s32 $0xFFFF8000  }
0x1b9: {  	_ =	swait.ge [sflag:s13], $0x8000  }
0x1ba: {  	s1 =	sadd.s32 $0xFFFFFFFF, s1;
	[sflag:s13] =	ssyncset.done $0x0  }
0x1bb: {  	p2 =	sne.s32 s1, $0x0;
	[sflag:s13] =	ssyncadd.s32 $0xFFFF8000  }
.Ltmp2:
0x1bc: {  	[bflag:$0x0] =	sbarrier.arrive $0xFFFF;
	(pc) =	sbr.rel @p2 .LBB2_3-.Ltmp2, $4  }
0x1bd: {  	s31 =	rddreg [dreg:$0x9]  }
0x1be: {  	[hbm:s31@s17], [sflag:s4] =	dma.strided [spmem:s5@s29], $0x1388, s8, $0x8   }
0x1bf: {  	_ =	swait.ge [sflag:s6], $0x1388  }
0x1c0: {  	s15 =	rddreg [dreg:$0x4];
	[sflag:s6] =	ssyncset.done $0x0  }
0x1c1: {  	s26 =	rddreg [dreg:$0x3];
	s28 =	stileid.u32  }
0x1c2: {  	s16 =	simm.s32 $0x10;
	s17 =	simm.s32 $0x8;
	s18 =	simm.s32 $0x4E00  }
0x1c3: {  	s19 =	simm.s32 $0x4C00;
	s20 =	simm.s32 $0x2400;
	s21 =	simm.s32 $0x4A00  }
0x1c4: {  	s22 =	simm.s32 $0x4800;
	s23 =	simm.s32 $0x2200;
	s29 =	simm.s32 $0x2000  }
.LBB2_5:
0x1c5: {  	[sflag:s6] =	ssyncadd.s32 @p1 $0xFFFFEC78  }
0x1c6: {  	[spmem:s5], [sflag:s4] =	dma.local [hbm:s15], $0x1388  }
0x1c7: {  	_ =	swait.ge [sflag:s6], $0x1388  }
0x1c8: {  	[sflag:s6] =	ssyncset.done $0x0  }
0x1c9: {  	s0 =	rddreg [dreg:$0x6];
	[sflag:s6] =	ssyncadd.s32 $0xFFFFEC78  }
0x1ca: {  	[tilespmem:s25], [sflag:$0x5] =	stream.linear.gather [hbm4b:s0+s24], $0x2600, $0x38;
	[tilespmem:$0x1F440] =	vst v63  }
0x1cb: {  	_ =	swait.ge [sflag:s6], $0x2600  }
0x1cc: {  	[sflag:s6] =	ssyncset.done $0x0  }
0x1cd: {  	s30 =	rddreg [dreg:$0x7];
	[sflag:s6] =	ssyncadd.s32 $0xFFFFDA00  }
0x1ce: {  	[tilespmem:s24], [sflag:$0x5] =	stream.linear.gather [hbm4b:s30+s24], $0x2600, $0x38;
	[tilespmem:$0x1F440] =	vst v63  }
0x1cf: {  	_ =	swait.ge [sflag:s6], $0x2600  }
0x1d0: {  	s1 =	simm.s32 @p0 $0x0;
	[sflag:s6] =	ssyncset.done $0x0  }
0x1d1: {  	s15 =	simm.s32 @p0 $0x4E00;
	s0 =	rddreg [dreg:$0x5];
	[sflag:s6] =	ssyncadd.s32 $0xFFFFDA00  }
0x1d2: {  	[tilespmem:s15], [sflag:$0x5] =	stream.linear.gather @p0 [hbm4b:s0+s1], $0x200, $0x38;
	[tilespmem:$0x1F440] =	vst v63  }
0x1d3: {  	s0 =	simm.s32 @p0 $0x5  }
0x1d4: {  	_ =	swait.ge @p0 [sflag:s0], $0x200  }
0x1d5: {  	s15 =	simm.s32 @!p0 $0x4E00;
	[sflag:s0] =	ssyncset.done @p0 $0x0  }
0x1d6: {  	s1 =	rddreg [dreg:$0x8];
	[sflag:s0] =	ssyncadd.s32 @p0 $0xFFFFFE00;
	s0 =	simm.s32 @!p0 $0x0  }
0x1d7: {  	[tilespmem:s15], [sflag:$0x5] =	stream.linear.gather @!p0 [hbm4b:s1+s0], $0x200, $0x38;
	[tilespmem:$0x1F440] =	vst v63  }
0x1d8: {  	s0 =	simm.s32 @!p0 $0x5  }
0x1d9: {  	_ =	swait.ge @!p0 [sflag:s0], $0x200  }
0x1da: {  	[sflag:s0] =	ssyncset.done @!p0 $0x0  }
0x1db: {  	s31 =	rddreg [dreg:$0xa];
	[sflag:s0] =	ssyncadd.s32 @!p0 $0xFFFFFE00  }
0x1dc: {  	[tilespmem:s9], [sflag:$0x5] =	stream.linear.gather [hbm4b:s31+s24], $0x200, $0x38;
	[tilespmem:$0x1F440] =	vst v63  }
0x1dd: {  	_ =	swait.ge [sflag:s6], $0x200  }
0x1de: {  	[sflag:s6] =	ssyncset.done $0x0  }
0x1df: {  	[sflag:s6] =	ssyncadd.s32 $0xFFFFFE00  }
0x1e0: {  	[bflag:$0x0] =	sbarrier.arrive $0xFFFF  }
0x1e1: {  	[tilespmem:s11], [sflag:$0x1] =	stream.indirect.gather [hbm4b:s3+s7], $0x40, s24, s7, $0xb8;
	[tilespmem:$0x1F440] =	vst v63  }
0x1e2: {  	_ = 	snop  }
0x1e3: {  	[tilespmem:s10], [sflag:$0x2] =	stream.indirect.gather [hbm4b:s3+s7], $0x40, s7, s7, $0xb8;
	[tilespmem:$0x1F440] =	vst v63  }
0x1e4: {  	_ =	swait.ge [sflag:s8], $0x8000  }
0x1e5: {  	[sflag:s8] =	ssyncset.done $0x0  }
0x1e6: {  	[sflag:s8] =	ssyncadd.s32 $0xFFFF8000  }
0x1e7: {  	[spmem:s2] =	stream.indirect.scatter.add.f32 [tilespmem:s11], [sflag:$0x3], $0x40, s25, s7, $0xb8;
	[tilespmem:$0x1F440] =	vst v63  }
0x1e8: {  	_ =	swait.ge [sflag:s14], $0x8000  }
0x1e9: {  	[sflag:s14] =	ssyncset.done $0x0  }
0x1ea: {  	s1 =	rddreg [dreg:$0xb];
	[sflag:s14] =	ssyncadd.s32 $0xFFFF8000  }
0x1eb: {  	[spmem:s2] =	stream.indirect.scatter.add.f32 [tilespmem:s10], [sflag:$0x4], $0x40, s1, s7, $0xb8;
	[tilespmem:$0x1F440] =	vst v63  }
0x1ec: {  	_ =	swait.ge [sflag:s12], $0x8000  }
0x1ed: {  	[sflag:s12] =	ssyncset.done $0x0  }
0x1ee: {  	s15 =	rddreg [dreg:$0xc];
	[sflag:s12] =	ssyncadd.s32 $0xFFFF8000  }
0x1ef: {  	[tilespmem:s11], [sflag:$0x1] =	stream.indirect.gather [hbm4b:s3+s7], $0x40, s15, s7, $0xb8;
	[tilespmem:$0x1F440] =	vst v63  }
0x1f0: {  	_ =	swait.ge [sflag:s13], $0x8000  }
0x1f1: {  	[sflag:s13] =	ssyncset.done $0x0  }
0x1f2: {  	s24 =	rddreg [dreg:$0xd];
	[sflag:s13] =	ssyncadd.s32 $0xFFFF8000  }
0x1f3: {  	[tilespmem:s10], [sflag:$0x2] =	stream.indirect.gather [hbm4b:s3+s7], $0x40, s24, s7, $0xb8;
	[tilespmem:$0x1F440] =	vst v63  }
0x1f4: {  	_ =	swait.ge [sflag:s8], $0x8000  }
0x1f5: {  	[sflag:s8] =	ssyncset.done $0x0  }
0x1f6: {  	s25 =	rddreg [dreg:$0xe];
	[sflag:s8] =	ssyncadd.s32 $0xFFFF8000  }
0x1f7: {  	[spmem:s2] =	stream.indirect.scatter.add.f32 [tilespmem:s11], [sflag:$0x3], $0x40, s25, s7, $0xb8;
	[tilespmem:$0x1F440] =	vst v63  }
0x1f8: {  	_ =	swait.ge [sflag:s14], $0x8000  }
0x1f9: {  	[sflag:s14] =	ssyncset.done $0x0  }
0x1fa: {  	s30 =	rddreg [dreg:$0xf];
	[sflag:s14] =	ssyncadd.s32 $0xFFFF8000  }
0x1fb: {  	[spmem:s2] =	stream.indirect.scatter.add.f32 [tilespmem:s10], [sflag:$0x4], $0x40, s30, s7, $0xb8;
	[tilespmem:$0x1F440] =	vst v63  }
0x1fc: {  	_ =	swait.ge [sflag:s12], $0x8000  }
0x1fd: {  	[sflag:s12] =	ssyncset.done $0x0  }
0x1fe: {  	s31 =	rddreg [dreg:$0x10];
	[sflag:s12] =	ssyncadd.s32 $0xFFFF8000  }
0x1ff: {  	[tilespmem:s11], [sflag:$0x1] =	stream.indirect.gather [hbm4b:s3+s7], $0x40, s31, s7, $0xb8;
	[tilespmem:$0x1F440] =	vst v63  }
0x200: {  	_ =	swait.ge [sflag:s13], $0x8000  }
0x201: {  	[sflag:s13] =	ssyncset.done $0x0  }
0x202: {  	s1 =	rddreg [dreg:$0x11];
	[sflag:s13] =	ssyncadd.s32 $0xFFFF8000  }
0x203: {  	[tilespmem:s10], [sflag:$0x2] =	stream.indirect.gather [hbm4b:s3+s7], $0x40, s1, s7, $0xb8;
	[tilespmem:$0x1F440] =	vst v63  }
0x204: {  	_ =	swait.ge [sflag:s8], $0x8000  }
0x205: {  	[sflag:s8] =	ssyncset.done $0x0  }
0x206: {  	s15 =	rddreg [dreg:$0x12];
	[sflag:s8] =	ssyncadd.s32 $0xFFFF8000  }
0x207: {  	[spmem:s2] =	stream.indirect.scatter.add.f32 [tilespmem:s11], [sflag:$0x3], $0x40, s15, s7, $0xb8;
	[tilespmem:$0x1F440] =	vst v63  }
0x208: {  	_ =	swait.ge [sflag:s14], $0x8000  }
0x209: {  	[sflag:s14] =	ssyncset.done $0x0  }
0x20a: {  	s24 =	rddreg [dreg:$0x13];
	[sflag:s14] =	ssyncadd.s32 $0xFFFF8000  }
0x20b: {  	[spmem:s2] =	stream.indirect.scatter.add.f32 [tilespmem:s10], [sflag:$0x4], $0x40, s24, s7, $0xb8;
	[tilespmem:$0x1F440] =	vst v63  }
0x20c: {  	_ =	swait.ge [sflag:s12], $0x8000  }
0x20d: {  	[sflag:s12] =	ssyncset.done $0x0  }
0x20e: {  	s25 =	rddreg [dreg:$0x14];
	[sflag:s12] =	ssyncadd.s32 $0xFFFF8000  }
0x20f: {  	[tilespmem:s11], [sflag:$0x1] =	stream.indirect.gather [hbm4b:s3+s7], $0x40, s25, s7, $0xb8;
	[tilespmem:$0x1F440] =	vst v63  }
0x210: {  	_ =	swait.ge [sflag:s13], $0x8000  }
0x211: {  	[sflag:s13] =	ssyncset.done $0x0  }
0x212: {  	s30 =	rddreg [dreg:$0x15];
	[sflag:s13] =	ssyncadd.s32 $0xFFFF8000  }
0x213: {  	[tilespmem:s10], [sflag:$0x2] =	stream.indirect.gather [hbm4b:s3+s7], $0x40, s30, s7, $0xb8;
	[tilespmem:$0x1F440] =	vst v63  }
0x214: {  	_ =	swait.ge [sflag:s8], $0x8000  }
0x215: {  	[sflag:s8] =	ssyncset.done $0x0  }
0x216: {  	s31 =	rddreg [dreg:$0x16];
	[sflag:s8] =	ssyncadd.s32 $0xFFFF8000  }
0x217: {  	[spmem:s2] =	stream.indirect.scatter.add.f32 [tilespmem:s11], [sflag:$0x3], $0x40, s31, s7, $0xb8;
	[tilespmem:$0x1F440] =	vst v63  }
0x218: {  	_ =	swait.ge [sflag:s14], $0x8000  }
0x219: {  	[sflag:s14] =	ssyncset.done $0x0  }
0x21a: {  	s1 =	rddreg [dreg:$0x17];
	[sflag:s14] =	ssyncadd.s32 $0xFFFF8000  }
0x21b: {  	[spmem:s2] =	stream.indirect.scatter.add.f32 [tilespmem:s10], [sflag:$0x4], $0x40, s1, s7, $0xb8;
	[tilespmem:$0x1F440] =	vst v63  }
0x21c: {  	_ =	swait.ge [sflag:s12], $0x8000  }
0x21d: {  	[sflag:s12] =	ssyncset.done $0x0  }
0x21e: {  	s15 =	rddreg [dreg:$0x18];
	[sflag:s12] =	ssyncadd.s32 $0xFFFF8000  }
0x21f: {  	[tilespmem:s11], [sflag:$0x1] =	stream.indirect.gather [hbm4b:s3+s7], $0x40, s15, s7, $0xb8;
	[tilespmem:$0x1F440] =	vst v63  }
0x220: {  	_ =	swait.ge [sflag:s13], $0x8000  }
0x221: {  	[sflag:s13] =	ssyncset.done $0x0  }
0x222: {  	s24 =	rddreg [dreg:$0x19];
	[sflag:s13] =	ssyncadd.s32 $0xFFFF8000  }
0x223: {  	[tilespmem:s10], [sflag:$0x2] =	stream.indirect.gather [hbm4b:s3+s7], $0x40, s24, s7, $0xb8;
	[tilespmem:$0x1F440] =	vst v63  }
0x224: {  	_ =	swait.ge [sflag:s8], $0x8000  }
0x225: {  	[sflag:s8] =	ssyncset.done $0x0  }
0x226: {  	s25 =	rddreg [dreg:$0x1a];
	[sflag:s8] =	ssyncadd.s32 $0xFFFF8000  }
0x227: {  	[spmem:s2] =	stream.indirect.scatter.add.f32 [tilespmem:s11], [sflag:$0x3], $0x40, s25, s7, $0xb8;
	[tilespmem:$0x1F440] =	vst v63  }
0x228: {  	_ =	swait.ge [sflag:s14], $0x8000  }
0x229: {  	[sflag:s14] =	ssyncset.done $0x0  }
0x22a: {  	s30 =	rddreg [dreg:$0x1b];
	[sflag:s14] =	ssyncadd.s32 $0xFFFF8000  }
0x22b: {  	[spmem:s2] =	stream.indirect.scatter.add.f32 [tilespmem:s10], [sflag:$0x4], $0x40, s30, s7, $0xb8;
	[tilespmem:$0x1F440] =	vst v63  }
0x22c: {  	_ =	swait.ge [sflag:s12], $0x8000  }
0x22d: {  	[sflag:s12] =	ssyncset.done $0x0  }
0x22e: {  	s31 =	rddreg [dreg:$0x1c];
	[sflag:s12] =	ssyncadd.s32 $0xFFFF8000  }
0x22f: {  	[tilespmem:s11], [sflag:$0x1] =	stream.indirect.gather [hbm4b:s3+s7], $0x40, s31, s7, $0xb8;
	[tilespmem:$0x1F440] =	vst v63  }
0x230: {  	_ =	swait.ge [sflag:s13], $0x8000  }
0x231: {  	[sflag:s13] =	ssyncset.done $0x0  }
0x232: {  	s1 =	rddreg [dreg:$0x1d];
	[sflag:s13] =	ssyncadd.s32 $0xFFFF8000  }
0x233: {  	[tilespmem:s10], [sflag:$0x2] =	stream.indirect.gather [hbm4b:s3+s7], $0x40, s1, s7, $0xb8;
	[tilespmem:$0x1F440] =	vst v63  }
0x234: {  	_ =	swait.ge [sflag:s8], $0x8000  }
0x235: {  	[sflag:s8] =	ssyncset.done $0x0  }
0x236: {  	s15 =	rddreg [dreg:$0x1e];
	[sflag:s8] =	ssyncadd.s32 $0xFFFF8000  }
0x237: {  	[spmem:s2] =	stream.indirect.scatter.add.f32 [tilespmem:s11], [sflag:$0x3], $0x40, s15, s7, $0xb8;
	[tilespmem:$0x1F440] =	vst v63  }
0x238: {  	_ =	swait.ge [sflag:s14], $0x8000  }
0x239: {  	[sflag:s14] =	ssyncset.done $0x0  }
0x23a: {  	s24 =	rddreg [dreg:$0x1f];
	[sflag:s14] =	ssyncadd.s32 $0xFFFF8000  }
0x23b: {  	[spmem:s2] =	stream.indirect.scatter.add.f32 [tilespmem:s10], [sflag:$0x4], $0x40, s24, s7, $0xb8;
	[tilespmem:$0x1F440] =	vst v63  }
0x23c: {  	_ =	swait.ge [sflag:s12], $0x8000  }
0x23d: {  	s25 =	sld [smem:$0x7F6]  }
0x23e: {  	[sflag:s12] =	ssyncset.done $0x0  }
0x23f: {  	[sflag:s12] =	ssyncadd.s32 $0xFFFF8000  }
0x240: {  	[tilespmem:s11], [sflag:$0x1] =	stream.indirect.gather [hbm4b:s3+s7], $0x40, s25, s7, $0xb8;
	[tilespmem:$0x1F440] =	vst v63  }
0x241: {  	_ =	swait.ge [sflag:s13], $0x8000  }
0x242: {  	s30 =	sld [smem:$0x7F7]  }
0x243: {  	[sflag:s13] =	ssyncset.done $0x0  }
0x244: {  	[sflag:s13] =	ssyncadd.s32 $0xFFFF8000  }
0x245: {  	[tilespmem:s10], [sflag:$0x2] =	stream.indirect.gather [hbm4b:s3+s7], $0x40, s30, s7, $0xb8;
	[tilespmem:$0x1F440] =	vst v63  }
0x246: {  	_ =	swait.ge [sflag:s8], $0x8000  }
0x247: {  	s31 =	sld [smem:$0x7F8]  }
0x248: {  	[sflag:s8] =	ssyncset.done $0x0  }
0x249: {  	[sflag:s8] =	ssyncadd.s32 $0xFFFF8000  }
0x24a: {  	[spmem:s2] =	stream.indirect.scatter.add.f32 [tilespmem:s11], [sflag:$0x3], $0x40, s31, s7, $0xb8;
	[tilespmem:$0x1F440] =	vst v63  }
0x24b: {  	_ =	swait.ge [sflag:s14], $0x8000  }
0x24c: {  	s1 =	sld [smem:$0x7F9]  }
0x24d: {  	[sflag:s14] =	ssyncset.done $0x0  }
0x24e: {  	[sflag:s14] =	ssyncadd.s32 $0xFFFF8000  }
0x24f: {  	[spmem:s2] =	stream.indirect.scatter.add.f32 [tilespmem:s10], [sflag:$0x4], $0x40, s1, s7, $0xb8;
	[tilespmem:$0x1F440] =	vst v63  }
0x250: {  	_ =	swait.ge [sflag:s12], $0x8000  }
0x251: {  	s15 =	sld [smem:$0x7FA]  }
0x252: {  	[sflag:s12] =	ssyncset.done $0x0  }
0x253: {  	[sflag:s12] =	ssyncadd.s32 $0xFFFF8000  }
0x254: {  	[tilespmem:s11], [sflag:$0x1] =	stream.indirect.gather [hbm4b:s3+s7], $0x40, s15, s7, $0xb8;
	[tilespmem:$0x1F440] =	vst v63  }
0x255: {  	_ =	swait.ge [sflag:s13], $0x8000  }
0x256: {  	s24 =	sld [smem:$0x7FB]  }
0x257: {  	[sflag:s13] =	ssyncset.done $0x0  }
0x258: {  	[sflag:s13] =	ssyncadd.s32 $0xFFFF8000  }
0x259: {  	[tilespmem:s10], [sflag:$0x2] =	stream.indirect.gather [hbm4b:s3+s7], $0x40, s24, s7, $0xb8;
	[tilespmem:$0x1F440] =	vst v63  }
0x25a: {  	_ =	swait.ge [sflag:s8], $0x8000  }
0x25b: {  	s25 =	sld [smem:$0x7FC]  }
0x25c: {  	[sflag:s8] =	ssyncset.done $0x0  }
0x25d: {  	[sflag:s8] =	ssyncadd.s32 $0xFFFF8000  }
0x25e: {  	[spmem:s2] =	stream.indirect.scatter.add.f32 [tilespmem:s11], [sflag:$0x3], $0x40, s25, s7, $0xb8;
	[tilespmem:$0x1F440] =	vst v63  }
0x25f: {  	_ =	swait.ge [sflag:s14], $0x8000  }
0x260: {  	s30 =	sld [smem:$0x7FD]  }
0x261: {  	[sflag:s14] =	ssyncset.done $0x0  }
0x262: {  	[sflag:s14] =	ssyncadd.s32 $0xFFFF8000  }
0x263: {  	[spmem:s2] =	stream.indirect.scatter.add.f32 [tilespmem:s10], [sflag:$0x4], $0x40, s30, s7, $0xb8;
	[tilespmem:$0x1F440] =	vst v63  }
0x264: {  	_ =	swait.ge [sflag:s12], $0x8000  }
0x265: {  	[sflag:s12] =	ssyncset.done $0x0  }
0x266: {  	[sflag:s12] =	ssyncadd.s32 $0xFFFF8000  }
0x267: {  	[tilespmem:s11], [sflag:$0x1] =	stream.indirect.gather [hbm4b:s3+s7], $0x40, s29, s7, $0xb8;
	[tilespmem:$0x1F440] =	vst v63  }
0x268: {  	_ =	swait.ge [sflag:s13], $0x8000  }
0x269: {  	[sflag:s13] =	ssyncset.done $0x0  }
0x26a: {  	[sflag:s13] =	ssyncadd.s32 $0xFFFF8000  }
0x26b: {  	[tilespmem:s10], [sflag:$0x2] =	stream.indirect.gather [hbm4b:s3+s7], $0x40, s23, s7, $0xb8;
	[tilespmem:$0x1F440] =	vst v63  }
0x26c: {  	_ =	swait.ge [sflag:s8], $0x8000  }
0x26d: {  	[sflag:s8] =	ssyncset.done $0x0  }
0x26e: {  	[sflag:s8] =	ssyncadd.s32 $0xFFFF8000  }
0x26f: {  	[spmem:s2] =	stream.indirect.scatter.add.f32 [tilespmem:s11], [sflag:$0x3], $0x40, s22, s7, $0xb8;
	[tilespmem:$0x1F440] =	vst v63  }
0x270: {  	_ =	swait.ge [sflag:s14], $0x8000  }
0x271: {  	[sflag:s14] =	ssyncset.done $0x0  }
0x272: {  	[sflag:s14] =	ssyncadd.s32 $0xFFFF8000  }
0x273: {  	[spmem:s2] =	stream.indirect.scatter.add.f32 [tilespmem:s10], [sflag:$0x4], $0x40, s21, s7, $0xb8;
	[tilespmem:$0x1F440] =	vst v63  }
0x274: {  	_ =	swait.ge [sflag:s12], $0x8000  }
0x275: {  	[sflag:s12] =	ssyncset.done $0x0  }
0x276: {  	[sflag:s12] =	ssyncadd.s32 $0xFFFF8000  }
0x277: {  	[tilespmem:s11], [sflag:$0x1] =	stream.indirect.gather [hbm4b:s3+s7], $0x40, s20, s7, $0xb8;
	[tilespmem:$0x1F440] =	vst v63  }
0x278: {  	_ =	swait.ge [sflag:s13], $0x8000  }
0x279: {  	[sflag:s13] =	ssyncset.done $0x0  }
0x27a: {  	[sflag:s13] =	ssyncadd.s32 $0xFFFF8000  }
0x27b: {  	[tilespmem:s10], [sflag:$0x2] =	stream.indirect.gather [hbm4b:s3+s7], $0x40, s9, s7, $0xb8;
	[tilespmem:$0x1F440] =	vst v63  }
0x27c: {  	_ =	swait.ge [sflag:s8], $0x8000  }
0x27d: {  	[sflag:s8] =	ssyncset.done $0x0  }
0x27e: {  	[sflag:s8] =	ssyncadd.s32 $0xFFFF8000  }
0x27f: {  	[spmem:s2] =	stream.indirect.scatter.add.f32 [tilespmem:s11], [sflag:$0x3], $0x40, s19, s7, $0xb8;
	[tilespmem:$0x1F440] =	vst v63  }
0x280: {  	_ =	swait.ge [sflag:s14], $0x8000  }
0x281: {  	[sflag:s14] =	ssyncset.done $0x0  }
0x282: {  	[sflag:s14] =	ssyncadd.s32 $0xFFFF8000  }
0x283: {  	[spmem:s2] =	stream.indirect.scatter.add.f32 [tilespmem:s10], [sflag:$0x4], $0x40, s18, s7, $0xb8;
	[tilespmem:$0x1F440] =	vst v63  }
0x284: {  	_ =	swait.ge [sflag:s12], $0x8000  }
0x285: {  	[sflag:s12] =	ssyncset.done $0x0  }
0x286: {  	[sflag:s12] =	ssyncadd.s32 $0xFFFF8000  }
0x287: {  	_ =	swait.ge [sflag:s13], $0x8000  }
0x288: {  	[sflag:s13] =	ssyncset.done $0x0  }
0x289: {  	[sflag:s13] =	ssyncadd.s32 $0xFFFF8000  }
0x28a: {  	[bflag:$0x0] =	sbarrier.arrive $0xFFFF  }
0x28b: {  	s31 =	rddreg [dreg:$0x9]  }
0x28c: {  	[hbm:s31@s16], [sflag:s4] =	dma.strided [spmem:s5@s17], $0x1388, s8, $0x8   }
0x28d: {  	_ =	swait.ge [sflag:s6], $0x1388  }
0x28e: {  	[sflag:s6] =	ssyncset.done $0x0  }
0x28f: {  	[sflag:s6] =	ssyncadd.s32 $0xFFFFEC78  }
0x290: {  	_ =	sfence.sel $0x180000  }
0x291: {  	[bflag:$0x0] =	sbarrier.arrive $0xFFFF  }
0x292: {  	p0 =	sne.s32 s28, $0x0;
	_ =	strace $0x90000047  }
0x293: {  	s0 =	sadd.s32 @!p0 $0x100000, s26;
	[bflag:$0x2] =	sbarrier.arrive $0xFFFF  }
0x294: {  	[sflag:s0] =	ssyncadd.tile.s32 @!p0 $0x1;
	_ =	shalt  }
.LBB2_2:
.Ltmp3:
0x295: {  	(pc) =	sbr.rel .LBB2_5-.Ltmp3, $4  }
0x296: {  	s26 =	rddreg [dreg:$0x3];
	s28 =	stileid.u32  }
0x297: {  	s16 =	simm.s32 $0x10;
	s17 =	simm.s32 $0x8;
	s18 =	simm.s32 $0x4E00  }
0x298: {  	s19 =	simm.s32 $0x4C00;
	s20 =	simm.s32 $0x2400;
	s21 =	simm.s32 $0x4A00  }
0x299: {  	s22 =	simm.s32 $0x4800;
	s23 =	simm.s32 $0x2200;
	s29 =	simm.s32 $0x2000  }
.Lfunc_end2:
_tile_overlayer_lowered:
.L_overlay_start_2:
0x29a: {  	(tag) =	ssettag $0x2  }
0x29b: {  	s0 =	rddreg [dreg:$0x0];
	s2 =	stileid.u32  }
0x29c: {  	s1 =	rddreg [dreg:$0x1];
	p0 =	sne.s32 s2, $0x0  }
0x29d: {  	s3 =	rddreg [dreg:$0x2];
	[bflag:$0x3] =	sbarrier.arrive $0xFFFF;
	s2 =	simm.s32 @!p0 $0x1C05  }
0x29e: {  	[timem:s3], [sflag:s2] =	dma.local @!p0 [hbm:s0], s1  }
0x29f: {  	s0 =	simm.s32 @!p0 $0x5  }
0x2a0: {  	_ =	swait.ge @!p0 [sflag:s0], s1  }
0x2a1: {  	s1 =	ssub.s32 @!p0 $0x0, s1;
	[sflag:s0] =	ssyncset.done @!p0 $0x0  }
0x2a2: {  	[sflag:s0] =	ssyncadd.s32 @!p0 s1  }
0x2a3: {  	[bflag:$0x3] =	sbarrier.arrive $0xFFFF  }
0x2a4: {  	_ =	shalt  }

</sc_bundles>
